<compile_context>
chip_gen: v7x
topology: tpu7x:2x2x1
jax: 0.10.2.dev20260603
libtpu: 0.0.44.dev20260713+nightly
codegen_flags: <defaults>
</compile_context>

<pallas_src>
import functools

import jax
import jax.numpy as jnp
from jax import lax
from jax.experimental import pallas as pl
from jax.experimental.pallas import tpu as pltpu
from jax.experimental.pallas import tpu_sc as plsc

BATCH = 4096
SEQ = 200
EMB_D = 32
TOTAL = BATCH * SEQ

_info = plsc.get_sparse_core_info()
_NC, _NS = _info.num_cores, _info.num_subcores
NW = _NC * _NS
B_PER_W = TOTAL // NW
NSLOT = 4
CHUNK = 800
NCHUNK = B_PER_W // CHUNK
NROUND = NCHUNK // NSLOT

_mesh = plsc.VectorSubcoreMesh(core_axis_name="c", subcore_axis_name="s")


@functools.partial(
    pl.kernel,
    mesh=_mesh,
    out_type=jax.ShapeDtypeStruct((TOTAL, EMB_D), jnp.float32),
    scratch_types=(
        [pltpu.VMEM((NSLOT, CHUNK), jnp.int32),
         pltpu.VMEM((NSLOT, CHUNK, EMB_D), jnp.float32)]
        + [pltpu.SemaphoreType.DMA] * (2 * NSLOT)
    ),
    compiler_params=pltpu.CompilerParams(use_tc_tiling_on_sc=False),
)
def _emb_lookup(idx_hbm, table_hbm, out_hbm, idx_v, rows_v, *sems):
    gsems, wsems = sems[:NSLOT], sems[NSLOT:]
    wid = lax.axis_index("s") * _NC + lax.axis_index("c")
    base = wid * B_PER_W

    @pl.loop(0, NROUND)
    def _round(j):
        gathers = []
        for b in range(NSLOT):
            off = base + (j * NSLOT + b) * CHUNK

            @pl.when(j > 0)
            def _drain_prev_write():
                pltpu.make_async_copy(
                    rows_v.at[b], out_hbm.at[pl.ds(base, CHUNK)], wsems[b]
                ).wait()

            pltpu.sync_copy(idx_hbm.at[pl.ds(off, CHUNK)], idx_v.at[b])
            gathers.append(
                pltpu.async_copy(table_hbm.at[idx_v.at[b]], rows_v.at[b], gsems[b])
            )
        for b in range(NSLOT):
            off = base + (j * NSLOT + b) * CHUNK
            gathers[b].wait()
            pltpu.async_copy(rows_v.at[b], out_hbm.at[pl.ds(off, CHUNK)], wsems[b])

    for b in range(NSLOT):
        pltpu.make_async_copy(
            rows_v.at[b], out_hbm.at[pl.ds(base, CHUNK)], wsems[b]
        ).wait()


def kernel(token_ids, weight):
    flat = token_ids.reshape(-1).astype(jnp.int32)
    out = _emb_lookup(flat, weight)
    return out.reshape(BATCH, SEQ, EMB_D)

# --- scband reference (transcript-rebuilt; emitter-appended) ---
"""Pipeline reference for scband-embedding-26079041421332 (READ-ONLY COPY).

The authoritative reference and input builder live on the scoring server;
editing this copy changes nothing except your own understanding.
"""

import jax, jax.numpy as jnp
import numpy as np

NUM_EMBEDDINGS = 1000000
EMBEDDING_DIM = 32

def setup_inputs(seed: int = 0) -> dict:
    key = jax.random.key(seed)
    k1, k2 = jax.random.split(key)
    token_ids = jax.random.randint(k1, (4096, 200), 0, NUM_EMBEDDINGS, dtype=jnp.int64 if jax.config.jax_enable_x64 else jnp.int32)
    # truncated normal init (mean=0, std=1, a=-3, b=3)
    weight = jax.random.truncated_normal(k2, -3.0, 3.0, (NUM_EMBEDDINGS, EMBEDDING_DIM), dtype=jnp.float32)
    return {"token_ids": token_ids, "weight": weight}

def reference(token_ids, weight):
    # Embedding lookup: weight[token_ids] -> (batch, seq, d_model)
    return jnp.take(weight, token_ids, axis=0)

if __name__ == "__main__":
    import jax
    _d = setup_inputs()
    print(jax.jit(kernel)(*tuple(_d.values())))

</pallas_src>

<mosaic_0001>
#map = affine_map<(d0, d1) -> (0)>
#map1 = affine_map<(d0, d1) -> (0, 0)>
module attributes {stable_mosaic.version = 14 : i64} {
  func.func @_emb_lookup(%arg0: i32, %arg1: i32, %arg2: memref<819200xi32, #tpu.memory_space<hbm>>, %arg3: memref<1000000x32xf32, #tpu.memory_space<hbm>>, %arg4: memref<819200x32xf32, #tpu.memory_space<hbm>>, %arg5: memref<4x800xi32, #tpu.memory_space<vmem>>, %arg6: memref<4x800x32xf32, #tpu.memory_space<vmem>>, %arg7: memref<!tpu.dma_semaphore, #tpu.memory_space<semaphore_mem>>, %arg8: memref<!tpu.dma_semaphore, #tpu.memory_space<semaphore_mem>>, %arg9: memref<!tpu.dma_semaphore, #tpu.memory_space<semaphore_mem>>, %arg10: memref<!tpu.dma_semaphore, #tpu.memory_space<semaphore_mem>>, %arg11: memref<!tpu.dma_semaphore, #tpu.memory_space<semaphore_mem>>, %arg12: memref<!tpu.dma_semaphore, #tpu.memory_space<semaphore_mem>>, %arg13: memref<!tpu.dma_semaphore, #tpu.memory_space<semaphore_mem>>, %arg14: memref<!tpu.dma_semaphore, #tpu.memory_space<semaphore_mem>>) attributes {dimension_semantics = [#tpu.dimension_semantics<core_parallel>, #tpu.dimension_semantics<subcore_parallel>], iteration_bounds = array<i64: 2, 16>, scalar_prefetch = 0 : i64, scratch_operands = 10 : i64, tpu.core_type = #tpu.core_type<sc_vector_subcore>, window_params = [{transform_indices = #map}, {transform_indices = #map1}, {transform_indices = #map1}]} {
    %mul3A = arith.constant 2 : i32
    %mul3A_0 = arith.muli %arg1, %mul3A : i32
    %add3A = arith.addi %mul3A_0, %arg0 : i32
    %mul3A_1 = arith.constant 25600 : i32
    %mul3A_2 = arith.muli %add3A, %mul3A_1 : i32
    %scan3A = arith.constant 0 : i32
    %scan3A_3 = arith.constant 8 : i32
    %scan3A_4 = arith.addi %scan3A, %scan3A_3 : i32
    %scan3A_5 = arith.constant 1 : i32
    scf.for %scan3A_58 = %scan3A to %scan3A_4 step %scan3A_5  : i32 {
      %mul3A_59 = arith.constant 1 : i32
      %mul3A_60 = arith.muli %scan3A_58, %mul3A_59 : i32
      %add3A_61 = arith.constant 0 : i32
      %add3A_62 = arith.addi %add3A_61, %mul3A_60 : i32
      %mul3A_63 = arith.constant 4 : i32
      %mul3A_64 = arith.muli %add3A_62, %mul3A_63 : i32
      %add3A_65 = arith.constant 0 : i32
      %add3A_66 = arith.addi %mul3A_64, %add3A_65 : i32
      %mul3A_67 = arith.constant 800 : i32
      %mul3A_68 = arith.muli %add3A_66, %mul3A_67 : i32
      %add3A_69 = arith.addi %mul3A_2, %mul3A_68 : i32
      %gt3A = arith.constant 0 : i32
      %gt3A_70 = arith.cmpi sgt, %add3A_62, %gt3A : i32
      %convert_element_type3A = arith.extui %gt3A_70 : i1 to i32
      %cond3A = arith.constant 0 : i32
      %cond3A_71 = arith.cmpi ne, %convert_element_type3A, %cond3A : i32
      scf.if %cond3A_71 {
        %dma_wait3A_286 = arith.constant 0 : i32
        %dma_wait3A_287 = arith.constant 0 : i32
        %dma_wait3A_288 = arith.constant 0 : i32
        %dma_wait3A_289 = tpu.memref_slice %arg6[%dma_wait3A_286, %dma_wait3A_287, %dma_wait3A_288] : memref<4x800x32xf32, #tpu.memory_space<vmem>> -> memref<1x800x32xf32, #tpu.memory_space<vmem>>
        %dma_wait3A_290 = tpu.memref_squeeze %dma_wait3A_289 : memref<1x800x32xf32, #tpu.memory_space<vmem>> -> memref<800x32xf32, #tpu.memory_space<vmem>>
        %dma_wait3A_291 = arith.constant 0 : i32
        %dma_wait3A_292 = tpu.memref_slice %arg4[%mul3A_2, %dma_wait3A_291] : memref<819200x32xf32, #tpu.memory_space<hbm>> -> memref<800x32xf32, #tpu.memory_space<hbm>>
        %dma_wait3A_293 = arith.constant 0 : i32
        %dma_wait3A_294 = tpu.memref_slice %arg4[%mul3A_2, %dma_wait3A_293] : memref<819200x32xf32, #tpu.memory_space<hbm>> -> memref<800x32xf32, #tpu.memory_space<hbm>>
        %dma_wait3A_295 = arith.constant 0 : i32
        %dma_wait3A_296 = arith.constant 0 : i32
        %dma_wait3A_297 = tpu.memref_slice %arg6[%dma_wait3A_286, %dma_wait3A_295, %dma_wait3A_296] : memref<4x800x32xf32, #tpu.memory_space<vmem>> -> memref<1x800x32xf32, #tpu.memory_space<vmem>>
        %dma_wait3A_298 = tpu.memref_squeeze %dma_wait3A_297 : memref<1x800x32xf32, #tpu.memory_space<vmem>> -> memref<800x32xf32, #tpu.memory_space<vmem>>
        tpu.wait_dma2 semaphore(%arg11 : memref<!tpu.dma_semaphore, #tpu.memory_space<semaphore_mem>>) src(%dma_wait3A_298 : memref<800x32xf32, #tpu.memory_space<vmem>>) dst(%dma_wait3A_294 : memref<800x32xf32, #tpu.memory_space<hbm>>)
      } else {
      }
      %run_scoped3A = arith.constant 0 : i32
      "tpu.region"() ({
        %run_scoped3A_286 = tpu.sem_alloc : memref<!tpu.dma_semaphore, #tpu.memory_space<semaphore_mem>>
        %dma_start3A_287 = arith.constant 0 : i32
        %dma_start3A_288 = tpu.memref_slice %arg5[%run_scoped3A, %dma_start3A_287] : memref<4x800xi32, #tpu.memory_space<vmem>> -> memref<1x800xi32, #tpu.memory_space<vmem>>
        %dma_start3A_289 = tpu.memref_squeeze %dma_start3A_288 : memref<1x800xi32, #tpu.memory_space<vmem>> -> memref<800xi32, #tpu.memory_space<vmem>>
        %dma_start3A_290 = tpu.memref_slice %arg2[%add3A_69] : memref<819200xi32, #tpu.memory_space<hbm>> -> memref<800xi32, #tpu.memory_space<hbm>>
        %dma_start3A_291 = arith.constant 0 : i32
        %dma_start3A_292 = tpu.memref_slice %arg5[%run_scoped3A, %dma_start3A_291] : memref<4x800xi32, #tpu.memory_space<vmem>> -> memref<1x800xi32, #tpu.memory_space<vmem>>
        %dma_start3A_293 = tpu.memref_squeeze %dma_start3A_292 : memref<1x800xi32, #tpu.memory_space<vmem>> -> memref<800xi32, #tpu.memory_space<vmem>>
        %dma_start3A_294 = tpu.memref_slice %arg2[%add3A_69] : memref<819200xi32, #tpu.memory_space<hbm>> -> memref<800xi32, #tpu.memory_space<hbm>>
        tpu.enqueue_dma source(%dma_start3A_294 : memref<800xi32, #tpu.memory_space<hbm>>) target(%dma_start3A_293 : memref<800xi32, #tpu.memory_space<vmem>>) target_semaphore(%run_scoped3A_286 : memref<!tpu.dma_semaphore, #tpu.memory_space<semaphore_mem>>)
        %dma_wait3A_295 = arith.constant 0 : i32
        %dma_wait3A_296 = tpu.memref_slice %arg5[%run_scoped3A, %dma_wait3A_295] : memref<4x800xi32, #tpu.memory_space<vmem>> -> memref<1x800xi32, #tpu.memory_space<vmem>>
        %dma_wait3A_297 = tpu.memref_squeeze %dma_wait3A_296 : memref<1x800xi32, #tpu.memory_space<vmem>> -> memref<800xi32, #tpu.memory_space<vmem>>
        %dma_wait3A_298 = tpu.memref_slice %arg2[%add3A_69] : memref<819200xi32, #tpu.memory_space<hbm>> -> memref<800xi32, #tpu.memory_space<hbm>>
        %dma_wait3A_299 = arith.constant 0 : i32
        %dma_wait3A_300 = tpu.memref_slice %arg5[%run_scoped3A, %dma_wait3A_299] : memref<4x800xi32, #tpu.memory_space<vmem>> -> memref<1x800xi32, #tpu.memory_space<vmem>>
        %dma_wait3A_301 = tpu.memref_squeeze %dma_wait3A_300 : memref<1x800xi32, #tpu.memory_space<vmem>> -> memref<800xi32, #tpu.memory_space<vmem>>
        %dma_wait3A_302 = tpu.memref_slice %arg2[%add3A_69] : memref<819200xi32, #tpu.memory_space<hbm>> -> memref<800xi32, #tpu.memory_space<hbm>>
        tpu.wait_dma2 semaphore(%run_scoped3A_286 : memref<!tpu.dma_semaphore, #tpu.memory_space<semaphore_mem>>) src(%dma_wait3A_302 : memref<800xi32, #tpu.memory_space<hbm>>) dst(%dma_wait3A_301 : memref<800xi32, #tpu.memory_space<vmem>>)
        tpu.yield
      }) : () -> ()
      %dma_start3A = arith.constant 0 : i32
      %dma_start3A_72 = arith.constant 0 : i32
      %dma_start3A_73 = arith.constant 0 : i32
      %dma_start3A_74 = arith.constant 0 : i32
      %dma_start3A_75 = tpu.memref_slice %arg6[%dma_start3A_72, %dma_start3A_73, %dma_start3A_74] : memref<4x800x32xf32, #tpu.memory_space<vmem>> -> memref<1x800x32xf32, #tpu.memory_space<vmem>>
      %dma_start3A_76 = tpu.memref_squeeze %dma_start3A_75 : memref<1x800x32xf32, #tpu.memory_space<vmem>> -> memref<800x32xf32, #tpu.memory_space<vmem>>
      %dma_start3A_77 = arith.constant 0 : i32
      %dma_start3A_78 = tpu.memref_slice %arg5[%dma_start3A, %dma_start3A_77] : memref<4x800xi32, #tpu.memory_space<vmem>> -> memref<1x800xi32, #tpu.memory_space<vmem>>
      %dma_start3A_79 = tpu.memref_squeeze %dma_start3A_78 : memref<1x800xi32, #tpu.memory_space<vmem>> -> memref<800xi32, #tpu.memory_space<vmem>>
      %dma_start3A_80 = arith.constant 0 : i32
      %dma_start3A_81 = arith.constant 0 : i32
      %dma_start3A_82 = tpu.memref_slice %arg3[%dma_start3A_80, %dma_start3A_81] : memref<1000000x32xf32, #tpu.memory_space<hbm>> -> memref<1000000x32xf32, #tpu.memory_space<hbm>>
      tpu.enqueue_indirect_dma source(%dma_start3A_82 : memref<1000000x32xf32, #tpu.memory_space<hbm>>) target(%dma_start3A_76 : memref<800x32xf32, #tpu.memory_space<vmem>>) offsets(%dma_start3A_79 : memref<800xi32, #tpu.memory_space<vmem>>) semaphore(%arg7 : memref<!tpu.dma_semaphore, #tpu.memory_space<semaphore_mem>>)
      %mul3A_83 = arith.constant 4 : i32
      %mul3A_84 = arith.muli %add3A_62, %mul3A_83 : i32
      %add3A_85 = arith.constant 1 : i32
      %add3A_86 = arith.addi %mul3A_84, %add3A_85 : i32
      %mul3A_87 = arith.constant 800 : i32
      %mul3A_88 = arith.muli %add3A_86, %mul3A_87 : i32
      %add3A_89 = arith.addi %mul3A_2, %mul3A_88 : i32
      %gt3A_90 = arith.constant 0 : i32
      %gt3A_91 = arith.cmpi sgt, %add3A_62, %gt3A_90 : i32
      %convert_element_type3A_92 = arith.extui %gt3A_91 : i1 to i32
      %cond3A_93 = arith.constant 0 : i32
      %cond3A_94 = arith.cmpi ne, %convert_element_type3A_92, %cond3A_93 : i32
      scf.if %cond3A_94 {
        %dma_wait3A_286 = arith.constant 1 : i32
        %dma_wait3A_287 = arith.constant 0 : i32
        %dma_wait3A_288 = arith.constant 0 : i32
        %dma_wait3A_289 = tpu.memref_slice %arg6[%dma_wait3A_286, %dma_wait3A_287, %dma_wait3A_288] : memref<4x800x32xf32, #tpu.memory_space<vmem>> -> memref<1x800x32xf32, #tpu.memory_space<vmem>>
        %dma_wait3A_290 = tpu.memref_squeeze %dma_wait3A_289 : memref<1x800x32xf32, #tpu.memory_space<vmem>> -> memref<800x32xf32, #tpu.memory_space<vmem>>
        %dma_wait3A_291 = arith.constant 0 : i32
        %dma_wait3A_292 = tpu.memref_slice %arg4[%mul3A_2, %dma_wait3A_291] : memref<819200x32xf32, #tpu.memory_space<hbm>> -> memref<800x32xf32, #tpu.memory_space<hbm>>
        %dma_wait3A_293 = arith.constant 0 : i32
        %dma_wait3A_294 = tpu.memref_slice %arg4[%mul3A_2, %dma_wait3A_293] : memref<819200x32xf32, #tpu.memory_space<hbm>> -> memref<800x32xf32, #tpu.memory_space<hbm>>
        %dma_wait3A_295 = arith.constant 0 : i32
        %dma_wait3A_296 = arith.constant 0 : i32
        %dma_wait3A_297 = tpu.memref_slice %arg6[%dma_wait3A_286, %dma_wait3A_295, %dma_wait3A_296] : memref<4x800x32xf32, #tpu.memory_space<vmem>> -> memref<1x800x32xf32, #tpu.memory_space<vmem>>
        %dma_wait3A_298 = tpu.memref_squeeze %dma_wait3A_297 : memref<1x800x32xf32, #tpu.memory_space<vmem>> -> memref<800x32xf32, #tpu.memory_space<vmem>>
        tpu.wait_dma2 semaphore(%arg12 : memref<!tpu.dma_semaphore, #tpu.memory_space<semaphore_mem>>) src(%dma_wait3A_298 : memref<800x32xf32, #tpu.memory_space<vmem>>) dst(%dma_wait3A_294 : memref<800x32xf32, #tpu.memory_space<hbm>>)
      } else {
      }
      %run_scoped3A_95 = arith.constant 1 : i32
      "tpu.region"() ({
        %run_scoped3A_286 = tpu.sem_alloc : memref<!tpu.dma_semaphore, #tpu.memory_space<semaphore_mem>>
        %dma_start3A_287 = arith.constant 0 : i32
        %dma_start3A_288 = tpu.memref_slice %arg5[%run_scoped3A_95, %dma_start3A_287] : memref<4x800xi32, #tpu.memory_space<vmem>> -> memref<1x800xi32, #tpu.memory_space<vmem>>
        %dma_start3A_289 = tpu.memref_squeeze %dma_start3A_288 : memref<1x800xi32, #tpu.memory_space<vmem>> -> memref<800xi32, #tpu.memory_space<vmem>>
        %dma_start3A_290 = tpu.memref_slice %arg2[%add3A_89] : memref<819200xi32, #tpu.memory_space<hbm>> -> memref<800xi32, #tpu.memory_space<hbm>>
        %dma_start3A_291 = arith.constant 0 : i32
        %dma_start3A_292 = tpu.memref_slice %arg5[%run_scoped3A_95, %dma_start3A_291] : memref<4x800xi32, #tpu.memory_space<vmem>> -> memref<1x800xi32, #tpu.memory_space<vmem>>
        %dma_start3A_293 = tpu.memref_squeeze %dma_start3A_292 : memref<1x800xi32, #tpu.memory_space<vmem>> -> memref<800xi32, #tpu.memory_space<vmem>>
        %dma_start3A_294 = tpu.memref_slice %arg2[%add3A_89] : memref<819200xi32, #tpu.memory_space<hbm>> -> memref<800xi32, #tpu.memory_space<hbm>>
        tpu.enqueue_dma source(%dma_start3A_294 : memref<800xi32, #tpu.memory_space<hbm>>) target(%dma_start3A_293 : memref<800xi32, #tpu.memory_space<vmem>>) target_semaphore(%run_scoped3A_286 : memref<!tpu.dma_semaphore, #tpu.memory_space<semaphore_mem>>)
        %dma_wait3A_295 = arith.constant 0 : i32
        %dma_wait3A_296 = tpu.memref_slice %arg5[%run_scoped3A_95, %dma_wait3A_295] : memref<4x800xi32, #tpu.memory_space<vmem>> -> memref<1x800xi32, #tpu.memory_space<vmem>>
        %dma_wait3A_297 = tpu.memref_squeeze %dma_wait3A_296 : memref<1x800xi32, #tpu.memory_space<vmem>> -> memref<800xi32, #tpu.memory_space<vmem>>
        %dma_wait3A_298 = tpu.memref_slice %arg2[%add3A_89] : memref<819200xi32, #tpu.memory_space<hbm>> -> memref<800xi32, #tpu.memory_space<hbm>>
        %dma_wait3A_299 = arith.constant 0 : i32
        %dma_wait3A_300 = tpu.memref_slice %arg5[%run_scoped3A_95, %dma_wait3A_299] : memref<4x800xi32, #tpu.memory_space<vmem>> -> memref<1x800xi32, #tpu.memory_space<vmem>>
        %dma_wait3A_301 = tpu.memref_squeeze %dma_wait3A_300 : memref<1x800xi32, #tpu.memory_space<vmem>> -> memref<800xi32, #tpu.memory_space<vmem>>
        %dma_wait3A_302 = tpu.memref_slice %arg2[%add3A_89] : memref<819200xi32, #tpu.memory_space<hbm>> -> memref<800xi32, #tpu.memory_space<hbm>>
        tpu.wait_dma2 semaphore(%run_scoped3A_286 : memref<!tpu.dma_semaphore, #tpu.memory_space<semaphore_mem>>) src(%dma_wait3A_302 : memref<800xi32, #tpu.memory_space<hbm>>) dst(%dma_wait3A_301 : memref<800xi32, #tpu.memory_space<vmem>>)
        tpu.yield
      }) : () -> ()
      %dma_start3A_96 = arith.constant 1 : i32
      %dma_start3A_97 = arith.constant 1 : i32
      %dma_start3A_98 = arith.constant 0 : i32
      %dma_start3A_99 = arith.constant 0 : i32
      %dma_start3A_100 = tpu.memref_slice %arg6[%dma_start3A_97, %dma_start3A_98, %dma_start3A_99] : memref<4x800x32xf32, #tpu.memory_space<vmem>> -> memref<1x800x32xf32, #tpu.memory_space<vmem>>
      %dma_start3A_101 = tpu.memref_squeeze %dma_start3A_100 : memref<1x800x32xf32, #tpu.memory_space<vmem>> -> memref<800x32xf32, #tpu.memory_space<vmem>>
      %dma_start3A_102 = arith.constant 0 : i32
      %dma_start3A_103 = tpu.memref_slice %arg5[%dma_start3A_96, %dma_start3A_102] : memref<4x800xi32, #tpu.memory_space<vmem>> -> memref<1x800xi32, #tpu.memory_space<vmem>>
      %dma_start3A_104 = tpu.memref_squeeze %dma_start3A_103 : memref<1x800xi32, #tpu.memory_space<vmem>> -> memref<800xi32, #tpu.memory_space<vmem>>
      %dma_start3A_105 = arith.constant 0 : i32
      %dma_start3A_106 = arith.constant 0 : i32
      %dma_start3A_107 = tpu.memref_slice %arg3[%dma_start3A_105, %dma_start3A_106] : memref<1000000x32xf32, #tpu.memory_space<hbm>> -> memref<1000000x32xf32, #tpu.memory_space<hbm>>
      tpu.enqueue_indirect_dma source(%dma_start3A_107 : memref<1000000x32xf32, #tpu.memory_space<hbm>>) target(%dma_start3A_101 : memref<800x32xf32, #tpu.memory_space<vmem>>) offsets(%dma_start3A_104 : memref<800xi32, #tpu.memory_space<vmem>>) semaphore(%arg8 : memref<!tpu.dma_semaphore, #tpu.memory_space<semaphore_mem>>)
      %mul3A_108 = arith.constant 4 : i32
      %mul3A_109 = arith.muli %add3A_62, %mul3A_108 : i32
      %add3A_110 = arith.constant 2 : i32
      %add3A_111 = arith.addi %mul3A_109, %add3A_110 : i32
      %mul3A_112 = arith.constant 800 : i32
      %mul3A_113 = arith.muli %add3A_111, %mul3A_112 : i32
      %add3A_114 = arith.addi %mul3A_2, %mul3A_113 : i32
      %gt3A_115 = arith.constant 0 : i32
      %gt3A_116 = arith.cmpi sgt, %add3A_62, %gt3A_115 : i32
      %convert_element_type3A_117 = arith.extui %gt3A_116 : i1 to i32
      %cond3A_118 = arith.constant 0 : i32
      %cond3A_119 = arith.cmpi ne, %convert_element_type3A_117, %cond3A_118 : i32
      scf.if %cond3A_119 {
        %dma_wait3A_286 = arith.constant 2 : i32
        %dma_wait3A_287 = arith.constant 0 : i32
        %dma_wait3A_288 = arith.constant 0 : i32
        %dma_wait3A_289 = tpu.memref_slice %arg6[%dma_wait3A_286, %dma_wait3A_287, %dma_wait3A_288] : memref<4x800x32xf32, #tpu.memory_space<vmem>> -> memref<1x800x32xf32, #tpu.memory_space<vmem>>
        %dma_wait3A_290 = tpu.memref_squeeze %dma_wait3A_289 : memref<1x800x32xf32, #tpu.memory_space<vmem>> -> memref<800x32xf32, #tpu.memory_space<vmem>>
        %dma_wait3A_291 = arith.constant 0 : i32
        %dma_wait3A_292 = tpu.memref_slice %arg4[%mul3A_2, %dma_wait3A_291] : memref<819200x32xf32, #tpu.memory_space<hbm>> -> memref<800x32xf32, #tpu.memory_space<hbm>>
        %dma_wait3A_293 = arith.constant 0 : i32
        %dma_wait3A_294 = tpu.memref_slice %arg4[%mul3A_2, %dma_wait3A_293] : memref<819200x32xf32, #tpu.memory_space<hbm>> -> memref<800x32xf32, #tpu.memory_space<hbm>>
        %dma_wait3A_295 = arith.constant 0 : i32
        %dma_wait3A_296 = arith.constant 0 : i32
        %dma_wait3A_297 = tpu.memref_slice %arg6[%dma_wait3A_286, %dma_wait3A_295, %dma_wait3A_296] : memref<4x800x32xf32, #tpu.memory_space<vmem>> -> memref<1x800x32xf32, #tpu.memory_space<vmem>>
        %dma_wait3A_298 = tpu.memref_squeeze %dma_wait3A_297 : memref<1x800x32xf32, #tpu.memory_space<vmem>> -> memref<800x32xf32, #tpu.memory_space<vmem>>
        tpu.wait_dma2 semaphore(%arg13 : memref<!tpu.dma_semaphore, #tpu.memory_space<semaphore_mem>>) src(%dma_wait3A_298 : memref<800x32xf32, #tpu.memory_space<vmem>>) dst(%dma_wait3A_294 : memref<800x32xf32, #tpu.memory_space<hbm>>)
      } else {
      }
      %run_scoped3A_120 = arith.constant 2 : i32
      "tpu.region"() ({
        %run_scoped3A_286 = tpu.sem_alloc : memref<!tpu.dma_semaphore, #tpu.memory_space<semaphore_mem>>
        %dma_start3A_287 = arith.constant 0 : i32
        %dma_start3A_288 = tpu.memref_slice %arg5[%run_scoped3A_120, %dma_start3A_287] : memref<4x800xi32, #tpu.memory_space<vmem>> -> memref<1x800xi32, #tpu.memory_space<vmem>>
        %dma_start3A_289 = tpu.memref_squeeze %dma_start3A_288 : memref<1x800xi32, #tpu.memory_space<vmem>> -> memref<800xi32, #tpu.memory_space<vmem>>
        %dma_start3A_290 = tpu.memref_slice %arg2[%add3A_114] : memref<819200xi32, #tpu.memory_space<hbm>> -> memref<800xi32, #tpu.memory_space<hbm>>
        %dma_start3A_291 = arith.constant 0 : i32
        %dma_start3A_292 = tpu.memref_slice %arg5[%run_scoped3A_120, %dma_start3A_291] : memref<4x800xi32, #tpu.memory_space<vmem>> -> memref<1x800xi32, #tpu.memory_space<vmem>>
        %dma_start3A_293 = tpu.memref_squeeze %dma_start3A_292 : memref<1x800xi32, #tpu.memory_space<vmem>> -> memref<800xi32, #tpu.memory_space<vmem>>
        %dma_start3A_294 = tpu.memref_slice %arg2[%add3A_114] : memref<819200xi32, #tpu.memory_space<hbm>> -> memref<800xi32, #tpu.memory_space<hbm>>
        tpu.enqueue_dma source(%dma_start3A_294 : memref<800xi32, #tpu.memory_space<hbm>>) target(%dma_start3A_293 : memref<800xi32, #tpu.memory_space<vmem>>) target_semaphore(%run_scoped3A_286 : memref<!tpu.dma_semaphore, #tpu.memory_space<semaphore_mem>>)
        %dma_wait3A_295 = arith.constant 0 : i32
        %dma_wait3A_296 = tpu.memref_slice %arg5[%run_scoped3A_120, %dma_wait3A_295] : memref<4x800xi32, #tpu.memory_space<vmem>> -> memref<1x800xi32, #tpu.memory_space<vmem>>
        %dma_wait3A_297 = tpu.memref_squeeze %dma_wait3A_296 : memref<1x800xi32, #tpu.memory_space<vmem>> -> memref<800xi32, #tpu.memory_space<vmem>>
        %dma_wait3A_298 = tpu.memref_slice %arg2[%add3A_114] : memref<819200xi32, #tpu.memory_space<hbm>> -> memref<800xi32, #tpu.memory_space<hbm>>
        %dma_wait3A_299 = arith.constant 0 : i32
        %dma_wait3A_300 = tpu.memref_slice %arg5[%run_scoped3A_120, %dma_wait3A_299] : memref<4x800xi32, #tpu.memory_space<vmem>> -> memref<1x800xi32, #tpu.memory_space<vmem>>
        %dma_wait3A_301 = tpu.memref_squeeze %dma_wait3A_300 : memref<1x800xi32, #tpu.memory_space<vmem>> -> memref<800xi32, #tpu.memory_space<vmem>>
        %dma_wait3A_302 = tpu.memref_slice %arg2[%add3A_114] : memref<819200xi32, #tpu.memory_space<hbm>> -> memref<800xi32, #tpu.memory_space<hbm>>
        tpu.wait_dma2 semaphore(%run_scoped3A_286 : memref<!tpu.dma_semaphore, #tpu.memory_space<semaphore_mem>>) src(%dma_wait3A_302 : memref<800xi32, #tpu.memory_space<hbm>>) dst(%dma_wait3A_301 : memref<800xi32, #tpu.memory_space<vmem>>)
        tpu.yield
      }) : () -> ()
      %dma_start3A_121 = arith.constant 2 : i32
      %dma_start3A_122 = arith.constant 2 : i32
      %dma_start3A_123 = arith.constant 0 : i32
      %dma_start3A_124 = arith.constant 0 : i32
      %dma_start3A_125 = tpu.memref_slice %arg6[%dma_start3A_122, %dma_start3A_123, %dma_start3A_124] : memref<4x800x32xf32, #tpu.memory_space<vmem>> -> memref<1x800x32xf32, #tpu.memory_space<vmem>>
      %dma_start3A_126 = tpu.memref_squeeze %dma_start3A_125 : memref<1x800x32xf32, #tpu.memory_space<vmem>> -> memref<800x32xf32, #tpu.memory_space<vmem>>
      %dma_start3A_127 = arith.constant 0 : i32
      %dma_start3A_128 = tpu.memref_slice %arg5[%dma_start3A_121, %dma_start3A_127] : memref<4x800xi32, #tpu.memory_space<vmem>> -> memref<1x800xi32, #tpu.memory_space<vmem>>
      %dma_start3A_129 = tpu.memref_squeeze %dma_start3A_128 : memref<1x800xi32, #tpu.memory_space<vmem>> -> memref<800xi32, #tpu.memory_space<vmem>>
      %dma_start3A_130 = arith.constant 0 : i32
      %dma_start3A_131 = arith.constant 0 : i32
      %dma_start3A_132 = tpu.memref_slice %arg3[%dma_start3A_130, %dma_start3A_131] : memref<1000000x32xf32, #tpu.memory_space<hbm>> -> memref<1000000x32xf32, #tpu.memory_space<hbm>>
      tpu.enqueue_indirect_dma source(%dma_start3A_132 : memref<1000000x32xf32, #tpu.memory_space<hbm>>) target(%dma_start3A_126 : memref<800x32xf32, #tpu.memory_space<vmem>>) offsets(%dma_start3A_129 : memref<800xi32, #tpu.memory_space<vmem>>) semaphore(%arg9 : memref<!tpu.dma_semaphore, #tpu.memory_space<semaphore_mem>>)
      %mul3A_133 = arith.constant 4 : i32
      %mul3A_134 = arith.muli %add3A_62, %mul3A_133 : i32
      %add3A_135 = arith.constant 3 : i32
      %add3A_136 = arith.addi %mul3A_134, %add3A_135 : i32
      %mul3A_137 = arith.constant 800 : i32
      %mul3A_138 = arith.muli %add3A_136, %mul3A_137 : i32
      %add3A_139 = arith.addi %mul3A_2, %mul3A_138 : i32
      %gt3A_140 = arith.constant 0 : i32
      %gt3A_141 = arith.cmpi sgt, %add3A_62, %gt3A_140 : i32
      %convert_element_type3A_142 = arith.extui %gt3A_141 : i1 to i32
      %cond3A_143 = arith.constant 0 : i32
      %cond3A_144 = arith.cmpi ne, %convert_element_type3A_142, %cond3A_143 : i32
      scf.if %cond3A_144 {
        %dma_wait3A_286 = arith.constant 3 : i32
        %dma_wait3A_287 = arith.constant 0 : i32
        %dma_wait3A_288 = arith.constant 0 : i32
        %dma_wait3A_289 = tpu.memref_slice %arg6[%dma_wait3A_286, %dma_wait3A_287, %dma_wait3A_288] : memref<4x800x32xf32, #tpu.memory_space<vmem>> -> memref<1x800x32xf32, #tpu.memory_space<vmem>>
        %dma_wait3A_290 = tpu.memref_squeeze %dma_wait3A_289 : memref<1x800x32xf32, #tpu.memory_space<vmem>> -> memref<800x32xf32, #tpu.memory_space<vmem>>
        %dma_wait3A_291 = arith.constant 0 : i32
        %dma_wait3A_292 = tpu.memref_slice %arg4[%mul3A_2, %dma_wait3A_291] : memref<819200x32xf32, #tpu.memory_space<hbm>> -> memref<800x32xf32, #tpu.memory_space<hbm>>
        %dma_wait3A_293 = arith.constant 0 : i32
        %dma_wait3A_294 = tpu.memref_slice %arg4[%mul3A_2, %dma_wait3A_293] : memref<819200x32xf32, #tpu.memory_space<hbm>> -> memref<800x32xf32, #tpu.memory_space<hbm>>
        %dma_wait3A_295 = arith.constant 0 : i32
        %dma_wait3A_296 = arith.constant 0 : i32
        %dma_wait3A_297 = tpu.memref_slice %arg6[%dma_wait3A_286, %dma_wait3A_295, %dma_wait3A_296] : memref<4x800x32xf32, #tpu.memory_space<vmem>> -> memref<1x800x32xf32, #tpu.memory_space<vmem>>
        %dma_wait3A_298 = tpu.memref_squeeze %dma_wait3A_297 : memref<1x800x32xf32, #tpu.memory_space<vmem>> -> memref<800x32xf32, #tpu.memory_space<vmem>>
        tpu.wait_dma2 semaphore(%arg14 : memref<!tpu.dma_semaphore, #tpu.memory_space<semaphore_mem>>) src(%dma_wait3A_298 : memref<800x32xf32, #tpu.memory_space<vmem>>) dst(%dma_wait3A_294 : memref<800x32xf32, #tpu.memory_space<hbm>>)
      } else {
      }
      %run_scoped3A_145 = arith.constant 3 : i32
      "tpu.region"() ({
        %run_scoped3A_286 = tpu.sem_alloc : memref<!tpu.dma_semaphore, #tpu.memory_space<semaphore_mem>>
        %dma_start3A_287 = arith.constant 0 : i32
        %dma_start3A_288 = tpu.memref_slice %arg5[%run_scoped3A_145, %dma_start3A_287] : memref<4x800xi32, #tpu.memory_space<vmem>> -> memref<1x800xi32, #tpu.memory_space<vmem>>
        %dma_start3A_289 = tpu.memref_squeeze %dma_start3A_288 : memref<1x800xi32, #tpu.memory_space<vmem>> -> memref<800xi32, #tpu.memory_space<vmem>>
        %dma_start3A_290 = tpu.memref_slice %arg2[%add3A_139] : memref<819200xi32, #tpu.memory_space<hbm>> -> memref<800xi32, #tpu.memory_space<hbm>>
        %dma_start3A_291 = arith.constant 0 : i32
        %dma_start3A_292 = tpu.memref_slice %arg5[%run_scoped3A_145, %dma_start3A_291] : memref<4x800xi32, #tpu.memory_space<vmem>> -> memref<1x800xi32, #tpu.memory_space<vmem>>
        %dma_start3A_293 = tpu.memref_squeeze %dma_start3A_292 : memref<1x800xi32, #tpu.memory_space<vmem>> -> memref<800xi32, #tpu.memory_space<vmem>>
        %dma_start3A_294 = tpu.memref_slice %arg2[%add3A_139] : memref<819200xi32, #tpu.memory_space<hbm>> -> memref<800xi32, #tpu.memory_space<hbm>>
        tpu.enqueue_dma source(%dma_start3A_294 : memref<800xi32, #tpu.memory_space<hbm>>) target(%dma_start3A_293 : memref<800xi32, #tpu.memory_space<vmem>>) target_semaphore(%run_scoped3A_286 : memref<!tpu.dma_semaphore, #tpu.memory_space<semaphore_mem>>)
        %dma_wait3A_295 = arith.constant 0 : i32
        %dma_wait3A_296 = tpu.memref_slice %arg5[%run_scoped3A_145, %dma_wait3A_295] : memref<4x800xi32, #tpu.memory_space<vmem>> -> memref<1x800xi32, #tpu.memory_space<vmem>>
        %dma_wait3A_297 = tpu.memref_squeeze %dma_wait3A_296 : memref<1x800xi32, #tpu.memory_space<vmem>> -> memref<800xi32, #tpu.memory_space<vmem>>
        %dma_wait3A_298 = tpu.memref_slice %arg2[%add3A_139] : memref<819200xi32, #tpu.memory_space<hbm>> -> memref<800xi32, #tpu.memory_space<hbm>>
        %dma_wait3A_299 = arith.constant 0 : i32
        %dma_wait3A_300 = tpu.memref_slice %arg5[%run_scoped3A_145, %dma_wait3A_299] : memref<4x800xi32, #tpu.memory_space<vmem>> -> memref<1x800xi32, #tpu.memory_space<vmem>>
        %dma_wait3A_301 = tpu.memref_squeeze %dma_wait3A_300 : memref<1x800xi32, #tpu.memory_space<vmem>> -> memref<800xi32, #tpu.memory_space<vmem>>
        %dma_wait3A_302 = tpu.memref_slice %arg2[%add3A_139] : memref<819200xi32, #tpu.memory_space<hbm>> -> memref<800xi32, #tpu.memory_space<hbm>>
        tpu.wait_dma2 semaphore(%run_scoped3A_286 : memref<!tpu.dma_semaphore, #tpu.memory_space<semaphore_mem>>) src(%dma_wait3A_302 : memref<800xi32, #tpu.memory_space<hbm>>) dst(%dma_wait3A_301 : memref<800xi32, #tpu.memory_space<vmem>>)
        tpu.yield
      }) : () -> ()
      %dma_start3A_146 = arith.constant 3 : i32
      %dma_start3A_147 = arith.constant 3 : i32
      %dma_start3A_148 = arith.constant 0 : i32
      %dma_start3A_149 = arith.constant 0 : i32
      %dma_start3A_150 = tpu.memref_slice %arg6[%dma_start3A_147, %dma_start3A_148, %dma_start3A_149] : memref<4x800x32xf32, #tpu.memory_space<vmem>> -> memref<1x800x32xf32, #tpu.memory_space<vmem>>
      %dma_start3A_151 = tpu.memref_squeeze %dma_start3A_150 : memref<1x800x32xf32, #tpu.memory_space<vmem>> -> memref<800x32xf32, #tpu.memory_space<vmem>>
      %dma_start3A_152 = arith.constant 0 : i32
      %dma_start3A_153 = tpu.memref_slice %arg5[%dma_start3A_146, %dma_start3A_152] : memref<4x800xi32, #tpu.memory_space<vmem>> -> memref<1x800xi32, #tpu.memory_space<vmem>>
      %dma_start3A_154 = tpu.memref_squeeze %dma_start3A_153 : memref<1x800xi32, #tpu.memory_space<vmem>> -> memref<800xi32, #tpu.memory_space<vmem>>
      %dma_start3A_155 = arith.constant 0 : i32
      %dma_start3A_156 = arith.constant 0 : i32
      %dma_start3A_157 = tpu.memref_slice %arg3[%dma_start3A_155, %dma_start3A_156] : memref<1000000x32xf32, #tpu.memory_space<hbm>> -> memref<1000000x32xf32, #tpu.memory_space<hbm>>
      tpu.enqueue_indirect_dma source(%dma_start3A_157 : memref<1000000x32xf32, #tpu.memory_space<hbm>>) target(%dma_start3A_151 : memref<800x32xf32, #tpu.memory_space<vmem>>) offsets(%dma_start3A_154 : memref<800xi32, #tpu.memory_space<vmem>>) semaphore(%arg10 : memref<!tpu.dma_semaphore, #tpu.memory_space<semaphore_mem>>)
      %mul3A_158 = arith.constant 4 : i32
      %mul3A_159 = arith.muli %add3A_62, %mul3A_158 : i32
      %add3A_160 = arith.constant 0 : i32
      %add3A_161 = arith.addi %mul3A_159, %add3A_160 : i32
      %mul3A_162 = arith.constant 800 : i32
      %mul3A_163 = arith.muli %add3A_161, %mul3A_162 : i32
      %add3A_164 = arith.addi %mul3A_2, %mul3A_163 : i32
      %dma_wait3A_165 = arith.constant 0 : i32
      %dma_wait3A_166 = arith.constant 0 : i32
      %dma_wait3A_167 = arith.constant 0 : i32
      %dma_wait3A_168 = arith.constant 0 : i32
      %dma_wait3A_169 = tpu.memref_slice %arg6[%dma_wait3A_166, %dma_wait3A_167, %dma_wait3A_168] : memref<4x800x32xf32, #tpu.memory_space<vmem>> -> memref<1x800x32xf32, #tpu.memory_space<vmem>>
      %dma_wait3A_170 = tpu.memref_squeeze %dma_wait3A_169 : memref<1x800x32xf32, #tpu.memory_space<vmem>> -> memref<800x32xf32, #tpu.memory_space<vmem>>
      %dma_wait3A_171 = arith.constant 0 : i32
      %dma_wait3A_172 = tpu.memref_slice %arg5[%dma_wait3A_165, %dma_wait3A_171] : memref<4x800xi32, #tpu.memory_space<vmem>> -> memref<1x800xi32, #tpu.memory_space<vmem>>
      %dma_wait3A_173 = tpu.memref_squeeze %dma_wait3A_172 : memref<1x800xi32, #tpu.memory_space<vmem>> -> memref<800xi32, #tpu.memory_space<vmem>>
      %dma_wait3A_174 = arith.constant 0 : i32
      %dma_wait3A_175 = arith.constant 0 : i32
      %dma_wait3A_176 = tpu.memref_slice %arg3[%dma_wait3A_174, %dma_wait3A_175] : memref<1000000x32xf32, #tpu.memory_space<hbm>> -> memref<1000000x32xf32, #tpu.memory_space<hbm>>
      tpu.wait_indirect_dma semaphore(%arg7 : memref<!tpu.dma_semaphore, #tpu.memory_space<semaphore_mem>>) src(%dma_wait3A_176 : memref<1000000x32xf32, #tpu.memory_space<hbm>>) dst(%dma_wait3A_170 : memref<800x32xf32, #tpu.memory_space<vmem>>)
      %dma_start3A_177 = arith.constant 0 : i32
      %dma_start3A_178 = arith.constant 0 : i32
      %dma_start3A_179 = arith.constant 0 : i32
      %dma_start3A_180 = tpu.memref_slice %arg6[%dma_start3A_177, %dma_start3A_178, %dma_start3A_179] : memref<4x800x32xf32, #tpu.memory_space<vmem>> -> memref<1x800x32xf32, #tpu.memory_space<vmem>>
      %dma_start3A_181 = tpu.memref_squeeze %dma_start3A_180 : memref<1x800x32xf32, #tpu.memory_space<vmem>> -> memref<800x32xf32, #tpu.memory_space<vmem>>
      %dma_start3A_182 = arith.constant 0 : i32
      %dma_start3A_183 = tpu.memref_slice %arg4[%add3A_164, %dma_start3A_182] : memref<819200x32xf32, #tpu.memory_space<hbm>> -> memref<800x32xf32, #tpu.memory_space<hbm>>
      %dma_start3A_184 = arith.constant 0 : i32
      %dma_start3A_185 = tpu.memref_slice %arg4[%add3A_164, %dma_start3A_184] : memref<819200x32xf32, #tpu.memory_space<hbm>> -> memref<800x32xf32, #tpu.memory_space<hbm>>
      %dma_start3A_186 = arith.constant 0 : i32
      %dma_start3A_187 = arith.constant 0 : i32
      %dma_start3A_188 = tpu.memref_slice %arg6[%dma_start3A_177, %dma_start3A_186, %dma_start3A_187] : memref<4x800x32xf32, #tpu.memory_space<vmem>> -> memref<1x800x32xf32, #tpu.memory_space<vmem>>
      %dma_start3A_189 = tpu.memref_squeeze %dma_start3A_188 : memref<1x800x32xf32, #tpu.memory_space<vmem>> -> memref<800x32xf32, #tpu.memory_space<vmem>>
      tpu.enqueue_dma source(%dma_start3A_189 : memref<800x32xf32, #tpu.memory_space<vmem>>) target(%dma_start3A_185 : memref<800x32xf32, #tpu.memory_space<hbm>>) target_semaphore(%arg11 : memref<!tpu.dma_semaphore, #tpu.memory_space<semaphore_mem>>)
      %mul3A_190 = arith.constant 4 : i32
      %mul3A_191 = arith.muli %add3A_62, %mul3A_190 : i32
      %add3A_192 = arith.constant 1 : i32
      %add3A_193 = arith.addi %mul3A_191, %add3A_192 : i32
      %mul3A_194 = arith.constant 800 : i32
      %mul3A_195 = arith.muli %add3A_193, %mul3A_194 : i32
      %add3A_196 = arith.addi %mul3A_2, %mul3A_195 : i32
      %dma_wait3A_197 = arith.constant 1 : i32
      %dma_wait3A_198 = arith.constant 1 : i32
      %dma_wait3A_199 = arith.constant 0 : i32
      %dma_wait3A_200 = arith.constant 0 : i32
      %dma_wait3A_201 = tpu.memref_slice %arg6[%dma_wait3A_198, %dma_wait3A_199, %dma_wait3A_200] : memref<4x800x32xf32, #tpu.memory_space<vmem>> -> memref<1x800x32xf32, #tpu.memory_space<vmem>>
      %dma_wait3A_202 = tpu.memref_squeeze %dma_wait3A_201 : memref<1x800x32xf32, #tpu.memory_space<vmem>> -> memref<800x32xf32, #tpu.memory_space<vmem>>
      %dma_wait3A_203 = arith.constant 0 : i32
      %dma_wait3A_204 = tpu.memref_slice %arg5[%dma_wait3A_197, %dma_wait3A_203] : memref<4x800xi32, #tpu.memory_space<vmem>> -> memref<1x800xi32, #tpu.memory_space<vmem>>
      %dma_wait3A_205 = tpu.memref_squeeze %dma_wait3A_204 : memref<1x800xi32, #tpu.memory_space<vmem>> -> memref<800xi32, #tpu.memory_space<vmem>>
      %dma_wait3A_206 = arith.constant 0 : i32
      %dma_wait3A_207 = arith.constant 0 : i32
      %dma_wait3A_208 = tpu.memref_slice %arg3[%dma_wait3A_206, %dma_wait3A_207] : memref<1000000x32xf32, #tpu.memory_space<hbm>> -> memref<1000000x32xf32, #tpu.memory_space<hbm>>
      tpu.wait_indirect_dma semaphore(%arg8 : memref<!tpu.dma_semaphore, #tpu.memory_space<semaphore_mem>>) src(%dma_wait3A_208 : memref<1000000x32xf32, #tpu.memory_space<hbm>>) dst(%dma_wait3A_202 : memref<800x32xf32, #tpu.memory_space<vmem>>)
      %dma_start3A_209 = arith.constant 1 : i32
      %dma_start3A_210 = arith.constant 0 : i32
      %dma_start3A_211 = arith.constant 0 : i32
      %dma_start3A_212 = tpu.memref_slice %arg6[%dma_start3A_209, %dma_start3A_210, %dma_start3A_211] : memref<4x800x32xf32, #tpu.memory_space<vmem>> -> memref<1x800x32xf32, #tpu.memory_space<vmem>>
      %dma_start3A_213 = tpu.memref_squeeze %dma_start3A_212 : memref<1x800x32xf32, #tpu.memory_space<vmem>> -> memref<800x32xf32, #tpu.memory_space<vmem>>
      %dma_start3A_214 = arith.constant 0 : i32
      %dma_start3A_215 = tpu.memref_slice %arg4[%add3A_196, %dma_start3A_214] : memref<819200x32xf32, #tpu.memory_space<hbm>> -> memref<800x32xf32, #tpu.memory_space<hbm>>
      %dma_start3A_216 = arith.constant 0 : i32
      %dma_start3A_217 = tpu.memref_slice %arg4[%add3A_196, %dma_start3A_216] : memref<819200x32xf32, #tpu.memory_space<hbm>> -> memref<800x32xf32, #tpu.memory_space<hbm>>
      %dma_start3A_218 = arith.constant 0 : i32
      %dma_start3A_219 = arith.constant 0 : i32
      %dma_start3A_220 = tpu.memref_slice %arg6[%dma_start3A_209, %dma_start3A_218, %dma_start3A_219] : memref<4x800x32xf32, #tpu.memory_space<vmem>> -> memref<1x800x32xf32, #tpu.memory_space<vmem>>
      %dma_start3A_221 = tpu.memref_squeeze %dma_start3A_220 : memref<1x800x32xf32, #tpu.memory_space<vmem>> -> memref<800x32xf32, #tpu.memory_space<vmem>>
      tpu.enqueue_dma source(%dma_start3A_221 : memref<800x32xf32, #tpu.memory_space<vmem>>) target(%dma_start3A_217 : memref<800x32xf32, #tpu.memory_space<hbm>>) target_semaphore(%arg12 : memref<!tpu.dma_semaphore, #tpu.memory_space<semaphore_mem>>)
      %mul3A_222 = arith.constant 4 : i32
      %mul3A_223 = arith.muli %add3A_62, %mul3A_222 : i32
      %add3A_224 = arith.constant 2 : i32
      %add3A_225 = arith.addi %mul3A_223, %add3A_224 : i32
      %mul3A_226 = arith.constant 800 : i32
      %mul3A_227 = arith.muli %add3A_225, %mul3A_226 : i32
      %add3A_228 = arith.addi %mul3A_2, %mul3A_227 : i32
      %dma_wait3A_229 = arith.constant 2 : i32
      %dma_wait3A_230 = arith.constant 2 : i32
      %dma_wait3A_231 = arith.constant 0 : i32
      %dma_wait3A_232 = arith.constant 0 : i32
      %dma_wait3A_233 = tpu.memref_slice %arg6[%dma_wait3A_230, %dma_wait3A_231, %dma_wait3A_232] : memref<4x800x32xf32, #tpu.memory_space<vmem>> -> memref<1x800x32xf32, #tpu.memory_space<vmem>>
      %dma_wait3A_234 = tpu.memref_squeeze %dma_wait3A_233 : memref<1x800x32xf32, #tpu.memory_space<vmem>> -> memref<800x32xf32, #tpu.memory_space<vmem>>
      %dma_wait3A_235 = arith.constant 0 : i32
      %dma_wait3A_236 = tpu.memref_slice %arg5[%dma_wait3A_229, %dma_wait3A_235] : memref<4x800xi32, #tpu.memory_space<vmem>> -> memref<1x800xi32, #tpu.memory_space<vmem>>
      %dma_wait3A_237 = tpu.memref_squeeze %dma_wait3A_236 : memref<1x800xi32, #tpu.memory_space<vmem>> -> memref<800xi32, #tpu.memory_space<vmem>>
      %dma_wait3A_238 = arith.constant 0 : i32
      %dma_wait3A_239 = arith.constant 0 : i32
      %dma_wait3A_240 = tpu.memref_slice %arg3[%dma_wait3A_238, %dma_wait3A_239] : memref<1000000x32xf32, #tpu.memory_space<hbm>> -> memref<1000000x32xf32, #tpu.memory_space<hbm>>
      tpu.wait_indirect_dma semaphore(%arg9 : memref<!tpu.dma_semaphore, #tpu.memory_space<semaphore_mem>>) src(%dma_wait3A_240 : memref<1000000x32xf32, #tpu.memory_space<hbm>>) dst(%dma_wait3A_234 : memref<800x32xf32, #tpu.memory_space<vmem>>)
      %dma_start3A_241 = arith.constant 2 : i32
      %dma_start3A_242 = arith.constant 0 : i32
      %dma_start3A_243 = arith.constant 0 : i32
      %dma_start3A_244 = tpu.memref_slice %arg6[%dma_start3A_241, %dma_start3A_242, %dma_start3A_243] : memref<4x800x32xf32, #tpu.memory_space<vmem>> -> memref<1x800x32xf32, #tpu.memory_space<vmem>>
      %dma_start3A_245 = tpu.memref_squeeze %dma_start3A_244 : memref<1x800x32xf32, #tpu.memory_space<vmem>> -> memref<800x32xf32, #tpu.memory_space<vmem>>
      %dma_start3A_246 = arith.constant 0 : i32
      %dma_start3A_247 = tpu.memref_slice %arg4[%add3A_228, %dma_start3A_246] : memref<819200x32xf32, #tpu.memory_space<hbm>> -> memref<800x32xf32, #tpu.memory_space<hbm>>
      %dma_start3A_248 = arith.constant 0 : i32
      %dma_start3A_249 = tpu.memref_slice %arg4[%add3A_228, %dma_start3A_248] : memref<819200x32xf32, #tpu.memory_space<hbm>> -> memref<800x32xf32, #tpu.memory_space<hbm>>
      %dma_start3A_250 = arith.constant 0 : i32
      %dma_start3A_251 = arith.constant 0 : i32
      %dma_start3A_252 = tpu.memref_slice %arg6[%dma_start3A_241, %dma_start3A_250, %dma_start3A_251] : memref<4x800x32xf32, #tpu.memory_space<vmem>> -> memref<1x800x32xf32, #tpu.memory_space<vmem>>
      %dma_start3A_253 = tpu.memref_squeeze %dma_start3A_252 : memref<1x800x32xf32, #tpu.memory_space<vmem>> -> memref<800x32xf32, #tpu.memory_space<vmem>>
      tpu.enqueue_dma source(%dma_start3A_253 : memref<800x32xf32, #tpu.memory_space<vmem>>) target(%dma_start3A_249 : memref<800x32xf32, #tpu.memory_space<hbm>>) target_semaphore(%arg13 : memref<!tpu.dma_semaphore, #tpu.memory_space<semaphore_mem>>)
      %mul3A_254 = arith.constant 4 : i32
      %mul3A_255 = arith.muli %add3A_62, %mul3A_254 : i32
      %add3A_256 = arith.constant 3 : i32
      %add3A_257 = arith.addi %mul3A_255, %add3A_256 : i32
      %mul3A_258 = arith.constant 800 : i32
      %mul3A_259 = arith.muli %add3A_257, %mul3A_258 : i32
      %add3A_260 = arith.addi %mul3A_2, %mul3A_259 : i32
      %dma_wait3A_261 = arith.constant 3 : i32
      %dma_wait3A_262 = arith.constant 3 : i32
      %dma_wait3A_263 = arith.constant 0 : i32
      %dma_wait3A_264 = arith.constant 0 : i32
      %dma_wait3A_265 = tpu.memref_slice %arg6[%dma_wait3A_262, %dma_wait3A_263, %dma_wait3A_264] : memref<4x800x32xf32, #tpu.memory_space<vmem>> -> memref<1x800x32xf32, #tpu.memory_space<vmem>>
      %dma_wait3A_266 = tpu.memref_squeeze %dma_wait3A_265 : memref<1x800x32xf32, #tpu.memory_space<vmem>> -> memref<800x32xf32, #tpu.memory_space<vmem>>
      %dma_wait3A_267 = arith.constant 0 : i32
      %dma_wait3A_268 = tpu.memref_slice %arg5[%dma_wait3A_261, %dma_wait3A_267] : memref<4x800xi32, #tpu.memory_space<vmem>> -> memref<1x800xi32, #tpu.memory_space<vmem>>
      %dma_wait3A_269 = tpu.memref_squeeze %dma_wait3A_268 : memref<1x800xi32, #tpu.memory_space<vmem>> -> memref<800xi32, #tpu.memory_space<vmem>>
      %dma_wait3A_270 = arith.constant 0 : i32
      %dma_wait3A_271 = arith.constant 0 : i32
      %dma_wait3A_272 = tpu.memref_slice %arg3[%dma_wait3A_270, %dma_wait3A_271] : memref<1000000x32xf32, #tpu.memory_space<hbm>> -> memref<1000000x32xf32, #tpu.memory_space<hbm>>
      tpu.wait_indirect_dma semaphore(%arg10 : memref<!tpu.dma_semaphore, #tpu.memory_space<semaphore_mem>>) src(%dma_wait3A_272 : memref<1000000x32xf32, #tpu.memory_space<hbm>>) dst(%dma_wait3A_266 : memref<800x32xf32, #tpu.memory_space<vmem>>)
      %dma_start3A_273 = arith.constant 3 : i32
      %dma_start3A_274 = arith.constant 0 : i32
      %dma_start3A_275 = arith.constant 0 : i32
      %dma_start3A_276 = tpu.memref_slice %arg6[%dma_start3A_273, %dma_start3A_274, %dma_start3A_275] : memref<4x800x32xf32, #tpu.memory_space<vmem>> -> memref<1x800x32xf32, #tpu.memory_space<vmem>>
      %dma_start3A_277 = tpu.memref_squeeze %dma_start3A_276 : memref<1x800x32xf32, #tpu.memory_space<vmem>> -> memref<800x32xf32, #tpu.memory_space<vmem>>
      %dma_start3A_278 = arith.constant 0 : i32
      %dma_start3A_279 = tpu.memref_slice %arg4[%add3A_260, %dma_start3A_278] : memref<819200x32xf32, #tpu.memory_space<hbm>> -> memref<800x32xf32, #tpu.memory_space<hbm>>
      %dma_start3A_280 = arith.constant 0 : i32
      %dma_start3A_281 = tpu.memref_slice %arg4[%add3A_260, %dma_start3A_280] : memref<819200x32xf32, #tpu.memory_space<hbm>> -> memref<800x32xf32, #tpu.memory_space<hbm>>
      %dma_start3A_282 = arith.constant 0 : i32
      %dma_start3A_283 = arith.constant 0 : i32
      %dma_start3A_284 = tpu.memref_slice %arg6[%dma_start3A_273, %dma_start3A_282, %dma_start3A_283] : memref<4x800x32xf32, #tpu.memory_space<vmem>> -> memref<1x800x32xf32, #tpu.memory_space<vmem>>
      %dma_start3A_285 = tpu.memref_squeeze %dma_start3A_284 : memref<1x800x32xf32, #tpu.memory_space<vmem>> -> memref<800x32xf32, #tpu.memory_space<vmem>>
      tpu.enqueue_dma source(%dma_start3A_285 : memref<800x32xf32, #tpu.memory_space<vmem>>) target(%dma_start3A_281 : memref<800x32xf32, #tpu.memory_space<hbm>>) target_semaphore(%arg14 : memref<!tpu.dma_semaphore, #tpu.memory_space<semaphore_mem>>)
    }
    %scan3A_6 = arith.constant 8 : i32
    %dma_wait3A = arith.constant 0 : i32
    %dma_wait3A_7 = arith.constant 0 : i32
    %dma_wait3A_8 = arith.constant 0 : i32
    %dma_wait3A_9 = tpu.memref_slice %arg6[%dma_wait3A, %dma_wait3A_7, %dma_wait3A_8] : memref<4x800x32xf32, #tpu.memory_space<vmem>> -> memref<1x800x32xf32, #tpu.memory_space<vmem>>
    %dma_wait3A_10 = tpu.memref_squeeze %dma_wait3A_9 : memref<1x800x32xf32, #tpu.memory_space<vmem>> -> memref<800x32xf32, #tpu.memory_space<vmem>>
    %dma_wait3A_11 = arith.constant 0 : i32
    %dma_wait3A_12 = tpu.memref_slice %arg4[%mul3A_2, %dma_wait3A_11] : memref<819200x32xf32, #tpu.memory_space<hbm>> -> memref<800x32xf32, #tpu.memory_space<hbm>>
    %dma_wait3A_13 = arith.constant 0 : i32
    %dma_wait3A_14 = tpu.memref_slice %arg4[%mul3A_2, %dma_wait3A_13] : memref<819200x32xf32, #tpu.memory_space<hbm>> -> memref<800x32xf32, #tpu.memory_space<hbm>>
    %dma_wait3A_15 = arith.constant 0 : i32
    %dma_wait3A_16 = arith.constant 0 : i32
    %dma_wait3A_17 = tpu.memref_slice %arg6[%dma_wait3A, %dma_wait3A_15, %dma_wait3A_16] : memref<4x800x32xf32, #tpu.memory_space<vmem>> -> memref<1x800x32xf32, #tpu.memory_space<vmem>>
    %dma_wait3A_18 = tpu.memref_squeeze %dma_wait3A_17 : memref<1x800x32xf32, #tpu.memory_space<vmem>> -> memref<800x32xf32, #tpu.memory_space<vmem>>
    tpu.wait_dma2 semaphore(%arg11 : memref<!tpu.dma_semaphore, #tpu.memory_space<semaphore_mem>>) src(%dma_wait3A_18 : memref<800x32xf32, #tpu.memory_space<vmem>>) dst(%dma_wait3A_14 : memref<800x32xf32, #tpu.memory_space<hbm>>)
    %dma_wait3A_19 = arith.constant 1 : i32
    %dma_wait3A_20 = arith.constant 0 : i32
    %dma_wait3A_21 = arith.constant 0 : i32
    %dma_wait3A_22 = tpu.memref_slice %arg6[%dma_wait3A_19, %dma_wait3A_20, %dma_wait3A_21] : memref<4x800x32xf32, #tpu.memory_space<vmem>> -> memref<1x800x32xf32, #tpu.memory_space<vmem>>
    %dma_wait3A_23 = tpu.memref_squeeze %dma_wait3A_22 : memref<1x800x32xf32, #tpu.memory_space<vmem>> -> memref<800x32xf32, #tpu.memory_space<vmem>>
    %dma_wait3A_24 = arith.constant 0 : i32
    %dma_wait3A_25 = tpu.memref_slice %arg4[%mul3A_2, %dma_wait3A_24] : memref<819200x32xf32, #tpu.memory_space<hbm>> -> memref<800x32xf32, #tpu.memory_space<hbm>>
    %dma_wait3A_26 = arith.constant 0 : i32
    %dma_wait3A_27 = tpu.memref_slice %arg4[%mul3A_2, %dma_wait3A_26] : memref<819200x32xf32, #tpu.memory_space<hbm>> -> memref<800x32xf32, #tpu.memory_space<hbm>>
    %dma_wait3A_28 = arith.constant 0 : i32
    %dma_wait3A_29 = arith.constant 0 : i32
    %dma_wait3A_30 = tpu.memref_slice %arg6[%dma_wait3A_19, %dma_wait3A_28, %dma_wait3A_29] : memref<4x800x32xf32, #tpu.memory_space<vmem>> -> memref<1x800x32xf32, #tpu.memory_space<vmem>>
    %dma_wait3A_31 = tpu.memref_squeeze %dma_wait3A_30 : memref<1x800x32xf32, #tpu.memory_space<vmem>> -> memref<800x32xf32, #tpu.memory_space<vmem>>
    tpu.wait_dma2 semaphore(%arg12 : memref<!tpu.dma_semaphore, #tpu.memory_space<semaphore_mem>>) src(%dma_wait3A_31 : memref<800x32xf32, #tpu.memory_space<vmem>>) dst(%dma_wait3A_27 : memref<800x32xf32, #tpu.memory_space<hbm>>)
    %dma_wait3A_32 = arith.constant 2 : i32
    %dma_wait3A_33 = arith.constant 0 : i32
    %dma_wait3A_34 = arith.constant 0 : i32
    %dma_wait3A_35 = tpu.memref_slice %arg6[%dma_wait3A_32, %dma_wait3A_33, %dma_wait3A_34] : memref<4x800x32xf32, #tpu.memory_space<vmem>> -> memref<1x800x32xf32, #tpu.memory_space<vmem>>
    %dma_wait3A_36 = tpu.memref_squeeze %dma_wait3A_35 : memref<1x800x32xf32, #tpu.memory_space<vmem>> -> memref<800x32xf32, #tpu.memory_space<vmem>>
    %dma_wait3A_37 = arith.constant 0 : i32
    %dma_wait3A_38 = tpu.memref_slice %arg4[%mul3A_2, %dma_wait3A_37] : memref<819200x32xf32, #tpu.memory_space<hbm>> -> memref<800x32xf32, #tpu.memory_space<hbm>>
    %dma_wait3A_39 = arith.constant 0 : i32
    %dma_wait3A_40 = tpu.memref_slice %arg4[%mul3A_2, %dma_wait3A_39] : memref<819200x32xf32, #tpu.memory_space<hbm>> -> memref<800x32xf32, #tpu.memory_space<hbm>>
    %dma_wait3A_41 = arith.constant 0 : i32
    %dma_wait3A_42 = arith.constant 0 : i32
    %dma_wait3A_43 = tpu.memref_slice %arg6[%dma_wait3A_32, %dma_wait3A_41, %dma_wait3A_42] : memref<4x800x32xf32, #tpu.memory_space<vmem>> -> memref<1x800x32xf32, #tpu.memory_space<vmem>>
    %dma_wait3A_44 = tpu.memref_squeeze %dma_wait3A_43 : memref<1x800x32xf32, #tpu.memory_space<vmem>> -> memref<800x32xf32, #tpu.memory_space<vmem>>
    tpu.wait_dma2 semaphore(%arg13 : memref<!tpu.dma_semaphore, #tpu.memory_space<semaphore_mem>>) src(%dma_wait3A_44 : memref<800x32xf32, #tpu.memory_space<vmem>>) dst(%dma_wait3A_40 : memref<800x32xf32, #tpu.memory_space<hbm>>)
    %dma_wait3A_45 = arith.constant 3 : i32
    %dma_wait3A_46 = arith.constant 0 : i32
    %dma_wait3A_47 = arith.constant 0 : i32
    %dma_wait3A_48 = tpu.memref_slice %arg6[%dma_wait3A_45, %dma_wait3A_46, %dma_wait3A_47] : memref<4x800x32xf32, #tpu.memory_space<vmem>> -> memref<1x800x32xf32, #tpu.memory_space<vmem>>
    %dma_wait3A_49 = tpu.memref_squeeze %dma_wait3A_48 : memref<1x800x32xf32, #tpu.memory_space<vmem>> -> memref<800x32xf32, #tpu.memory_space<vmem>>
    %dma_wait3A_50 = arith.constant 0 : i32
    %dma_wait3A_51 = tpu.memref_slice %arg4[%mul3A_2, %dma_wait3A_50] : memref<819200x32xf32, #tpu.memory_space<hbm>> -> memref<800x32xf32, #tpu.memory_space<hbm>>
    %dma_wait3A_52 = arith.constant 0 : i32
    %dma_wait3A_53 = tpu.memref_slice %arg4[%mul3A_2, %dma_wait3A_52] : memref<819200x32xf32, #tpu.memory_space<hbm>> -> memref<800x32xf32, #tpu.memory_space<hbm>>
    %dma_wait3A_54 = arith.constant 0 : i32
    %dma_wait3A_55 = arith.constant 0 : i32
    %dma_wait3A_56 = tpu.memref_slice %arg6[%dma_wait3A_45, %dma_wait3A_54, %dma_wait3A_55] : memref<4x800x32xf32, #tpu.memory_space<vmem>> -> memref<1x800x32xf32, #tpu.memory_space<vmem>>
    %dma_wait3A_57 = tpu.memref_squeeze %dma_wait3A_56 : memref<1x800x32xf32, #tpu.memory_space<vmem>> -> memref<800x32xf32, #tpu.memory_space<vmem>>
    tpu.wait_dma2 semaphore(%arg14 : memref<!tpu.dma_semaphore, #tpu.memory_space<semaphore_mem>>) src(%dma_wait3A_57 : memref<800x32xf32, #tpu.memory_space<vmem>>) dst(%dma_wait3A_53 : memref<800x32xf32, #tpu.memory_space<hbm>>)
    return
  }
}

</mosaic_0001>

<sc_bundles>
// kernel: kernel.3.cloned.1.call-start
scs
__scs_entry_jumppad:
0x0: {  	(pc) =	sbr.rel $0x88, $3  }
0x1: {  	(tag) =	ssettag $0x0;
	lr =	simm.s32 $0x1  }
0x2: {  	[smem:$0x3F9F] =	sst lr;
	_ =	strace $0xD0000000  }
0x3: {  	_ = 	snop  }
0x4: {  	_ = 	snop  }
0x5: {  	_ = 	snop  }
0x6: {  	_ = 	snop  }
0x7: {  	_ = 	snop  }
__scs_overlays_trampoline_lowered:
0x8: {  	[smem:$0x3FAE] =	sst s0  }
0x9: {  	[smem:$0x3FAF] =	sst s1  }
0xa: {  	[smem:$0x3FB0] =	sst s2  }
0xb: {  	[smem:$0x3FB1] =	sst s3  }
0xc: {  	[smem:$0x3FB2] =	sst s4  }
0xd: {  	[smem:$0x3FB3] =	sst s5  }
0xe: {  	[smem:$0x3FB4] =	sst s6  }
0xf: {  	[smem:$0x3FB5] =	sst s7  }
0x10: {  	[smem:$0x3FB6] =	sst s8  }
0x11: {  	[smem:$0x3FB7] =	sst s9;
	s0 =	simm.s32 @!p0 $0x0  }
0x12: {  	s1 =	sld [smem:$0x3F9D];
	s0 =	simm.s32 @p0 $0x1  }
0x13: {  	[smem:$0x3FB8] =	sst s0;
	s0 =	simm.s32 @!p1 $0x0  }
0x14: {  	s2 =	sld [smem:$0x3F9C];
	s0 =	simm.s32 @p1 $0x1  }
0x15: {  	[smem:$0x3FB9] =	sst s0;
	s0 =	simm.s32 @!p2 $0x0  }
0x16: {  	s3 =	sld [smem:$0x3FDB];
	s0 =	simm.s32 @p2 $0x1  }
0x17: {  	s4 =	simm.s32 $0x1BF5;
	[smem:$0x3FBB] =	sst s0  }
0x18: {  	s0 =	sld [smem:$0x3F9E];
	_ =	swait.ge [sflag:s4], $0x0  }
0x19: {  	s7 =	sld [smem:$0x3F9F]  }
0x1a: {  	s8 =	sadd.s32 $0xFFFFE003, lr  }
0x1b: {  	s9 =	sadd.s32 $0xFFFFFEF7, lr;
	s5 =	simm.s32 $0xFFFFFFFF;
	p2 =	slt.u32 s8, $0xFFFFF086  }
0x1c: {  	p1 =	slt.u32 s9, $0xF7A;
	s5 =	simm.s32 @!p2 $0x0  }
0x1d: {  	s5 =	simm.s32 @p1 $0x1;
	p0 =	seq.s32 s7, s2  }
0x1e: {  	s7 =	smul.u32 @!p0 $0xF7A, s2;
	p2 =	seq.s32 @!p0 s5, $0x0  }
0x1f: {  	s9 =	smul.u32 $0xF7A, s1;
	s8 =	simm.s32 @!p0 $0x1BF5;
	p2 =	por !p2, p0  }
0x20: {  	[sflag:s8] =	ssyncset.s32 @!p0 $0xFFFFF086;
	s6 =	sadd.s32 @!p0 s3, s7;
	s7 =	simm.s32 @!p0 $0x108  }
0x21: {  	s3 =	sadd.s32 s3, s9;
	s6 =	sadd.s32 @!p0 $0x88, s6;
	s7 =	simm.s32 @p2 $0x1082  }
0x22: {  	[simem:s7], [sflag:s8] =	dma.local @!p0 [hbm:s6], $0xF7A  }
0x23: {  	s9 =	sor.u32 $0xD0000000, s2;
	s6 =	simm.s32 $0x108;
	_ =	swait.ge @!p0 [sflag:s8], $0x0  }
0x24: {  	s3 =	sadd.s32 $0x88, s3;
	s6 =	simm.s32 @!p1 $0x1082;
	[sflag:s4] =	ssyncset.s32 $0xFFFFF086  }
0x25: {  	[simem:s6], [sflag:s4] =	dma.local [hbm:s3], $0xF7A  }
0x26: {  	[smem:$0x3F9F] =	sst s1;
	(tag) =	ssettag s2;
	_ =	strace s9  }
0x27: {  	s1 =	sld [smem:$0x3FAF]  }
0x28: {  	s2 =	sld [smem:$0x3FB0]  }
0x29: {  	s4 =	sld [smem:$0x3FB2]  }
0x2a: {  	p0 =	seq.s32 s5, $0x0;
	s5 =	sld [smem:$0x3FB3]  }
0x2b: {  	s6 =	sld [smem:$0x3FB4]  }
0x2c: {  	s7 =	sld [smem:$0x3FB5]  }
0x2d: {  	s3 =	simm.s32 $0x108;
	s8 =	sld [smem:$0x3FB6]  }
0x2e: {  	s3 =	simm.s32 @!p0 $0x1082;
	s9 =	sld [smem:$0x3FB7]  }
0x2f: {  	lr =	sadd.s32 s0, s3;
	s0 =	sld [smem:$0x3FAE]  }
0x30: {  	s3 =	sld [smem:$0x3FB1]  }
0x31: {  	[smem:$0x3FBA] =	sst s10  }
0x32: {  	s10 =	sld [smem:$0x3FB8];
	_ =	sdelay $0x3  }
0x33: {  	p0 =	seq.s32 s10, $0x1;
	s10 =	sld [smem:$0x3FBA];
	_ =	sdelay $0x3  }
0x34: {  	[smem:$0x3FBA] =	sst s10  }
0x35: {  	s10 =	sld [smem:$0x3FB9];
	_ =	sdelay $0x3  }
0x36: {  	p1 =	seq.s32 s10, $0x1;
	s10 =	sld [smem:$0x3FBA];
	_ =	sdelay $0x3  }
0x37: {  	[smem:$0x3FBA] =	sst s10  }
0x38: {  	s10 =	sld [smem:$0x3FBB]  }
0x39: {  	_ = 	snop;
	(pc) =	sbr.ind lr, $3  }
0x3a: {  	_ = 	snop  }
0x3b: {  	_ = 	snop  }
0x3c: {  	p2 =	seq.s32 s10, $0x1;
	s10 =	sld [smem:$0x3FBA]  }
0x3d: {  	_ =	shalt  }
0x3e: {  	_ =	shalt  }
0x3f: {  	_ =	shalt  }
0x40: {  	_ =	shalt  }
0x41: {  	_ =	shalt  }
0x42: {  	_ =	shalt  }
0x43: {  	_ =	shalt  }
0x44: {  	_ =	shalt  }
0x45: {  	_ =	shalt  }
0x46: {  	_ =	shalt  }
0x47: {  	_ =	shalt  }
0x48: {  	_ =	shalt  }
0x49: {  	_ =	shalt  }
0x4a: {  	_ =	shalt  }
0x4b: {  	_ =	shalt  }
0x4c: {  	_ =	shalt  }
0x4d: {  	_ =	shalt  }
0x4e: {  	_ =	shalt  }
0x4f: {  	_ =	shalt  }
0x50: {  	_ =	shalt  }
0x51: {  	_ =	shalt  }
0x52: {  	_ =	shalt  }
0x53: {  	_ =	shalt  }
0x54: {  	_ =	shalt  }
0x55: {  	_ =	shalt  }
0x56: {  	_ =	shalt  }
0x57: {  	_ =	shalt  }
0x58: {  	_ =	shalt  }
0x59: {  	_ =	shalt  }
0x5a: {  	_ =	shalt  }
0x5b: {  	_ =	shalt  }
0x5c: {  	_ =	shalt  }
0x5d: {  	_ =	shalt  }
0x5e: {  	_ =	shalt  }
0x5f: {  	_ =	shalt  }
0x60: {  	_ =	shalt  }
0x61: {  	_ =	shalt  }
0x62: {  	_ =	shalt  }
0x63: {  	_ =	shalt  }
0x64: {  	_ =	shalt  }
0x65: {  	_ =	shalt  }
0x66: {  	_ =	shalt  }
0x67: {  	_ =	shalt  }
0x68: {  	_ =	shalt  }
0x69: {  	_ =	shalt  }
0x6a: {  	_ =	shalt  }
0x6b: {  	_ =	shalt  }
0x6c: {  	_ =	shalt  }
0x6d: {  	_ =	shalt  }
0x6e: {  	_ =	shalt  }
0x6f: {  	_ =	shalt  }
0x70: {  	_ =	shalt  }
0x71: {  	_ =	shalt  }
0x72: {  	_ =	shalt  }
0x73: {  	_ =	shalt  }
0x74: {  	_ =	shalt  }
0x75: {  	_ =	shalt  }
0x76: {  	_ =	shalt  }
0x77: {  	_ =	shalt  }
0x78: {  	_ =	shalt  }
0x79: {  	_ =	shalt  }
0x7a: {  	_ =	shalt  }
0x7b: {  	_ =	shalt  }
0x7c: {  	_ =	shalt  }
0x7d: {  	_ =	shalt  }
0x7e: {  	_ =	shalt  }
0x7f: {  	_ =	shalt  }
0x80: {  	_ =	shalt  }
0x81: {  	_ =	shalt  }
0x82: {  	_ =	shalt  }
0x83: {  	_ =	shalt  }
0x84: {  	_ =	shalt  }
0x85: {  	_ =	shalt  }
0x86: {  	_ =	shalt  }
0x87: {  	_ =	shalt  }
.Lfunc_end0:
.L_simem_size_0:
called_computation.1_lowered:
.L_overlay_start_0:
0x88: {  	s2 =	sld [smem:$0x3FD9]  }
0x89: {  	s3 =	sld [smem:$0x3FFE];
	_ =	sdelay $0x1  }
0x8a: {  	s1 =	srdreg.scid  }
0x8b: {  	s0 =	sand.u32 $0x1, s1  }
0x8c: {  	s17 =	sshll.u32 s0, $0xA;
	s2 =	sadd.s32 s3, s2  }
0x8d: {  	s2 =	sadd.s32 s2, s17  }
0x8e: {  	[smem:$0x3FC6] =	sst s2  }
0x8f: {  	_ = 	snop  }
0x90: {  	s2 =	sld [smem:$0x3FD0];
	(tm) =	ssettm $0x1  }
0x91: {  	s18 =	sld [smem:$0x3FFB];
	_ =	sdelay $0x3  }
0x92: {  	_ =	strace s18  }
0x93: {  	s3 =	sld [smem:$0x3FFC];
	_ =	sdelay $0x3  }
0x94: {  	_ =	strace s3  }
0x95: {  	s3 =	sld [smem:$0x3FFD];
	_ =	sdelay $0x3  }
0x96: {  	_ =	strace s3  }
0x97: {  	_ =	strace $0x8FFFFFFF  }
0x98: {  	s19 =	sld [smem:$0x3FDB];
	_ =	sdelay $0x1  }
0x99: {  	s4 =	simm.s32 $_scs_section_size  }
0x9a: {  	s5 =	simm.s32 $_size__tile_overlayer_lowered;
	s6 =	simm.s32 $_tile_overlayer_lowered  }
0x9b: {  	s22 =	simm.s32 $0x1BFF;
	s21 =	sshll.u32 s6, $0x1;
	s3 =	sadd.s32 s4, s19  }
0x9c: {  	s7 =	simm.s32 $0x0;
	s20 =	sshll.u32 s5, $0x1;
	s5 =	sadd.s32 s21, s3  }
0x9d: {  	[timem:s7], [sflag:s22] =	dma.local [hbm:s5], s20  }
0x9e: {  	_ =	swait.ge [sflag:s22], s20  }
0x9f: {  	s4 =	ssub.s32 $0x0, s20;
	[sflag:s22] =	ssyncset.done $0x0  }
0xa0: {  	[sflag:s22] =	ssyncadd.s32 s4;
	_ =	sdelay $0x1  }
0xa1: {  	s23 =	simm.s32 $0x1B8B  }
0xa2: {  	_ =	swait.ge [sflag:s23], $0x1  }
0xa3: {  	[sflag:s23] =	ssyncset.done $0x0  }
0xa4: {  	s25 =	simm.s32 $0x1B8E;
	s24 =	sld [smem:$0x3FFE];
	[sflag:s23] =	ssyncadd.s32 $0xFFFFFFFF  }
0xa5: {  	s26 =	simm.s32 $execute0_lowered;
	[smem:$0x3FD2] =	sst s25  }
0xa6: {  	s5 =	sshll.u32 s26, $0x1;
	_ =	strace $0x80000046;
	[dreg:$0x1] =	wrdreg $0xFFFFFFFF  }
0xa7: {  	s28 =	simm.s32 $_size_execute0_lowered;
	s3 =	sadd.s32 s3, s5;
	[dreg:$0x0] =	wrdreg $0x0  }
0xa8: {  	s5 =	sshll.u32 s28, $0x1;
	[dreg:$0x2] =	wrdreg s3  }
0xa9: {  	[dreg:$0x3] =	wrdreg s5  }
0xaa: {  	[dreg:$0x4] =	wrdreg $0xC0  }
0xab: {  	_ =	task [dreg:s7], $0x5FFFF  }
0xac: {  	[dreg:$0x1] =	wrdreg $0xFFFFFFFF  }
0xad: {  	[dreg:$0x0] =	wrdreg $0x60  }
0xae: {  	[dreg:$0x2] =	wrdreg s24  }
0xaf: {  	[dreg:$0x3] =	wrdreg s2  }
0xb0: {  	[dreg:$0x4] =	wrdreg $0x9  }
0xb1: {  	_ =	task.clear_ibuf [dreg:s7], $0x5FFFF;
	_ =	strace $0x90000046  }
0xb2: {  	s29 =	simm.s32 $0x9;
	_ =	strace $0x80000048  }
0xb3: {  	_ =	swait.ge [sflag:s29], $0x1  }
0xb4: {  	[sflag:s29] =	ssyncadd.s32 $0xFFFFFFFF  }
0xb5: {  	_ =	strace $0x90000048  }
0xb6: {  	_ =	sfence  }
0xb7: {  	s30 =	sld [smem:$0x0];
	_ =	sdelay $0x2  }
0xb8: {  	s31 =	sshll.u32 s1, $0xD;
	s1 =	sshrl.u32 s1, $0x2  }
0xb9: {  	s3 =	sand.u32 $0x4000, s31;
	s1 =	sadd.s32 s1, s30  }
0xba: {  	s0 =	sor.u32 s3, s0;
	s1 =	sshll.u32 s1, $0x11  }
0xbb: {  	s0 =	sor.u32 s1, s0  }
0xbc: {  	s0 =	sadd.s32 $0x8F2B, s0  }
0xbd: {  	[sflag:s0] =	ssyncadd.remote.s32 $0x1  }
0xbe: {  	_ =	sfence.sel $0xFFFF  }
0xbf: {  	[dreg:$0x0] =	wrdreg $0xFFFFFFFF;
	(pc) =	sbr.abs _section_cstart, $3  }
0xc0: {  	[dreg:$0x1] =	wrdreg $0xFFFFFFFF  }
0xc1: {  	_ =	task.clear_ibuf [dreg:s7], $0x2FFFF;
	_ =	strace $0x9FFFFFFF  }
0xc2: {  	(tm) =	ssettm $0x7FFFFFFF  }
0xc3: {  	_ =	shalt  }
tec
execute0_lowered:
.L_overlay_start_1:
0x0: {  	(tag) =	ssettag $0x1  }
0x1: {  	s0 =	rddreg [dreg:$0x0]  }
0x2: {  	s1 =	rddreg [dreg:$0x1]  }
0x3: {  	s3 =	srdreg.scid;
	s8 =	stileid.u32  }
0x4: {  	s2 =	simm.s32 $0x0;
	s11 =	simm.s32 $0x320;
	s12 =	simm.s32 $0xC80  }
0x5: {  	s13 =	simm.s32 $0x7080;
	s14 =	simm.s32 $0x640;
	s15 =	simm.s32 $0xD480  }
0x6: {  	s16 =	simm.s32 $0x960;
	s17 =	simm.s32 $0x13880;
	s18 =	simm.s32 $0x1  }
0x7: {  	s19 =	simm.s32 $0x2;
	s20 =	simm.s32 $0x3;
	s4 =	sand.u32 $0x1, s3  }
0x8: {  	s21 =	smul.u32 $0xC800, s8;
	[smem:$0x7FF] =	sst s2;
	s9 =	sadd.s32 $0xA00, s0  }
0x9: {  	s3 =	sadd.s32 $0xF42E00, s0;
	s5 =	smul.u32 $0x6400, s4;
	s6 =	ssub.s32 $0x2, s4  }
0xa: {  	s8 =	smul.u32 $0x32000, s8;
	_ =	strace $0x80000047;
	s22 =	sshrl.u32 s6, $0x1  }
0xb: {  	s4 =	smul.u32 $0x19000, s4;
	s10 =	sadd.s32 s5, s21;
	s0 =	ssub.s32 s6, s22  }
0xc: {  	s21 =	simm.s32 $0x4;
	s5 =	sadd.s32 $0x960, s10;
	s7 =	sadd.s32 $0x640, s10  }
0xd: {  	s0 =	smax.u32 s0, $0x1;
	s28 =	sor.u32 $0x320, s10;
	s31 =	sshrl.u32 s10, $0x3  }
0xe: {  	s10 =	simm.s32 $0x9;
	s23 =	sshll.u32 s5, $0x2;
	[dreg:$0x6] =	wrdreg s0  }
0xf: {  	s25 =	sshll.u32 s7, $0x2;
	s26 =	sshrl.u32 s5, $0x3;
	s29 =	sshrl.u32 s7, $0x3  }
0x10: {  	s30 =	sshll.u32 s28, $0x2;
	s0 =	sshrl.u32 s28, $0x3;
	s24 =	sadd.s32 s23, s1  }
0x11: {  	s6 =	sadd.s32 s25, s1;
	s5 =	sadd.s32 s26, s9;
	s7 =	sadd.s32 s30, s1  }
0x12: {  	s1 =	sadd.s32 s8, s1;
	s23 =	simm.s32 $0x6;
	[dreg:$0x3] =	wrdreg s24  }
0x13: {  	s25 =	simm.s32 $0x8;
	s26 =	simm.s32 $0x0;
	[dreg:$0x4] =	wrdreg s6  }
0x14: {  	s6 =	sadd.s32 s29, s9;
	[dreg:$0x5] =	wrdreg s7;
	s7 =	sadd.s32 s0, s9  }
0x15: {  	s8 =	sadd.s32 s4, s1;
	s9 =	sadd.s32 s31, s9;
	s24 =	simm.s32 $0x7  }
.LBB2_1:
0x16: {  	p0 =	por $0x1, $0x1  }
0x17: {  	p0 =	por p0, p0  }
0x18: {  	s0 =	simm.s32 @!p0 $0x5  }
0x19: {  	_ =	swait.ge @!p0 [sflag:s0], $0x6400  }
0x1a: {  	[sflag:s0] =	ssyncset.done @!p0 $0x0  }
0x1b: {  	[sflag:s0] =	ssyncadd.s32 @!p0 $0xFFFF9C00  }
0x1c: {  	[tilespmem:s2], [sflag:$0x9] =	stream.linear.gather [hbm4b:s9+s2], $0x320, $0x38;
	[tilespmem:$0x19C80] =	vst v63  }
0x1d: {  	_ =	swait.ge [sflag:s10], $0x320  }
0x1e: {  	[sflag:s10] =	ssyncset.done $0x0  }
0x1f: {  	s0 =	simm.s32 @!p0 $0x6;
	[sflag:s10] =	ssyncadd.s32 $0xFFFFFCE0  }
0x20: {  	[tilespmem:s12], [sflag:$0x1] =	stream.indirect.gather [hbm4b:s3+s11], $0x20, s2, s11, $0xb8;
	[tilespmem:$0x19C80] =	vst v63  }
0x21: {  	_ =	swait.ge @!p0 [sflag:s0], $0x6400  }
0x22: {  	[sflag:s0] =	ssyncset.done @!p0 $0x0  }
0x23: {  	[sflag:s0] =	ssyncadd.s32 @!p0 $0xFFFF9C00  }
0x24: {  	[tilespmem:s11], [sflag:$0x9] =	stream.linear.gather [hbm4b:s7+s2], $0x320, $0x38;
	[tilespmem:$0x19C80] =	vst v63  }
0x25: {  	_ =	swait.ge [sflag:s10], $0x320  }
0x26: {  	[sflag:s10] =	ssyncset.done $0x0  }
0x27: {  	s0 =	simm.s32 @!p0 $0x7;
	[sflag:s10] =	ssyncadd.s32 $0xFFFFFCE0  }
0x28: {  	[tilespmem:s13], [sflag:$0x2] =	stream.indirect.gather [hbm4b:s3+s11], $0x20, s11, s11, $0xb8;
	[tilespmem:$0x19C80] =	vst v63  }
0x29: {  	_ =	swait.ge @!p0 [sflag:s0], $0x6400  }
0x2a: {  	[sflag:s0] =	ssyncset.done @!p0 $0x0  }
0x2b: {  	[sflag:s0] =	ssyncadd.s32 @!p0 $0xFFFF9C00  }
0x2c: {  	[tilespmem:s14], [sflag:$0x9] =	stream.linear.gather [hbm4b:s6+s2], $0x320, $0x38;
	[tilespmem:$0x19C80] =	vst v63  }
0x2d: {  	_ =	swait.ge [sflag:s10], $0x320  }
0x2e: {  	[sflag:s10] =	ssyncset.done $0x0  }
0x2f: {  	s0 =	simm.s32 @!p0 $0x8;
	[sflag:s10] =	ssyncadd.s32 $0xFFFFFCE0  }
0x30: {  	[tilespmem:s15], [sflag:$0x3] =	stream.indirect.gather [hbm4b:s3+s11], $0x20, s14, s11, $0xb8;
	[tilespmem:$0x19C80] =	vst v63  }
0x31: {  	_ =	swait.ge @!p0 [sflag:s0], $0x6400  }
0x32: {  	[sflag:s0] =	ssyncset.done @!p0 $0x0  }
0x33: {  	[sflag:s0] =	ssyncadd.s32 @!p0 $0xFFFF9C00  }
0x34: {  	[tilespmem:s16], [sflag:$0x9] =	stream.linear.gather [hbm4b:s5+s2], $0x320, $0x38;
	[tilespmem:$0x19C80] =	vst v63  }
0x35: {  	_ =	swait.ge [sflag:s10], $0x320  }
0x36: {  	[sflag:s10] =	ssyncset.done $0x0  }
0x37: {  	[sflag:s10] =	ssyncadd.s32 $0xFFFFFCE0  }
0x38: {  	[tilespmem:s17], [sflag:$0x4] =	stream.indirect.gather [hbm4b:s3+s11], $0x20, s16, s11, $0xb8;
	[tilespmem:$0x19C80] =	vst v63  }
0x39: {  	_ =	swait.ge [sflag:s18], $0x6400  }
0x3a: {  	[sflag:s18] =	ssyncset.done $0x0  }
0x3b: {  	s1 =	sadd.s32 $0x0, s8;
	[sflag:s18] =	ssyncadd.s32 $0xFFFF9C00  }
0x3c: {  	[hbm4b:s1+s2] =	stream.linear.scatter [tilespmem:s12], [sflag:$0x5], $0x6400, $0x38;
	[tilespmem:$0x19C80] =	vst v63  }
0x3d: {  	_ =	swait.ge [sflag:s19], $0x6400  }
0x3e: {  	s4 =	rddreg [dreg:$0x5];
	[sflag:s19] =	ssyncset.done $0x0  }
0x3f: {  	[sflag:s19] =	ssyncadd.s32 $0xFFFF9C00;
	s0 =	sadd.s32 $0x0, s4  }
0x40: {  	[hbm4b:s0+s2] =	stream.linear.scatter [tilespmem:s13], [sflag:$0x6], $0x6400, $0x38;
	[tilespmem:$0x19C80] =	vst v63  }
0x41: {  	s28 =	simm.s32 $0x3200;
	p6 =	por $0x0, $0x0;
	_ =	swait.ge [sflag:s20], $0x6400  }
0x42: {  	s31 =	sadd.s32 $0x190, s7;
	s22 =	rddreg [dreg:$0x4];
	[sflag:s20] =	ssyncset.done $0x0  }
0x43: {  	s29 =	sadd.s32 $0x190, s5;
	[sflag:s20] =	ssyncadd.s32 $0xFFFF9C00;
	s0 =	sadd.s32 $0x0, s22  }
0x44: {  	[hbm4b:s0+s2] =	stream.linear.scatter [tilespmem:s15], [sflag:$0x7], $0x6400, $0x38;
	[tilespmem:$0x19C80] =	vst v63  }
0x45: {  	s30 =	sadd.s32 $0x190, s6;
	p0 =	por p6, p6;
	_ =	swait.ge [sflag:s21], $0x6400  }
0x46: {  	s1 =	simm.s32 $0x6400;
	s4 =	rddreg [dreg:$0x3];
	[sflag:s21] =	ssyncset.done $0x0  }
0x47: {  	s0 =	sadd.s32 $0x190, s9;
	[sflag:s21] =	ssyncadd.s32 $0xFFFF9C00;
	s4 =	sadd.s32 $0x0, s4  }
.LBB2_2:
0x48: {  	[hbm4b:s4+s2] =	stream.linear.scatter [tilespmem:s17], [sflag:$0x8], $0x6400, $0x38;
	[tilespmem:$0x19C80] =	vst v63  }
0x49: {  	s22 =	simm.s32 @!p0 $0x5  }
0x4a: {  	_ =	swait.ge @!p0 [sflag:s22], $0x6400  }
0x4b: {  	[sflag:s22] =	ssyncset.done @!p0 $0x0  }
0x4c: {  	[sflag:s22] =	ssyncadd.s32 @!p0 $0xFFFF9C00  }
0x4d: {  	[tilespmem:s2], [sflag:$0x9] =	stream.linear.gather [hbm4b:s0+s2], $0x320, $0x38;
	[tilespmem:$0x19C80] =	vst v63  }
0x4e: {  	_ =	swait.ge [sflag:s10], $0x320  }
0x4f: {  	[sflag:s10] =	ssyncset.done $0x0  }
0x50: {  	s22 =	simm.s32 @!p0 $0x6;
	[sflag:s10] =	ssyncadd.s32 $0xFFFFFCE0  }
0x51: {  	[tilespmem:s12], [sflag:$0x1] =	stream.indirect.gather [hbm4b:s3+s11], $0x20, s2, s11, $0xb8;
	[tilespmem:$0x19C80] =	vst v63  }
0x52: {  	_ =	swait.ge @!p0 [sflag:s22], $0x6400  }
0x53: {  	[sflag:s22] =	ssyncset.done @!p0 $0x0  }
0x54: {  	[sflag:s22] =	ssyncadd.s32 @!p0 $0xFFFF9C00  }
0x55: {  	[tilespmem:s11], [sflag:$0x9] =	stream.linear.gather [hbm4b:s31+s2], $0x320, $0x38;
	[tilespmem:$0x19C80] =	vst v63  }
0x56: {  	_ =	swait.ge [sflag:s10], $0x320  }
0x57: {  	[sflag:s10] =	ssyncset.done $0x0  }
0x58: {  	s22 =	simm.s32 @!p0 $0x7;
	[sflag:s10] =	ssyncadd.s32 $0xFFFFFCE0  }
0x59: {  	[tilespmem:s13], [sflag:$0x2] =	stream.indirect.gather [hbm4b:s3+s11], $0x20, s11, s11, $0xb8;
	[tilespmem:$0x19C80] =	vst v63  }
0x5a: {  	_ =	swait.ge @!p0 [sflag:s22], $0x6400  }
0x5b: {  	[sflag:s22] =	ssyncset.done @!p0 $0x0  }
0x5c: {  	[sflag:s22] =	ssyncadd.s32 @!p0 $0xFFFF9C00  }
0x5d: {  	[tilespmem:s14], [sflag:$0x9] =	stream.linear.gather [hbm4b:s30+s2], $0x320, $0x38;
	[tilespmem:$0x19C80] =	vst v63  }
0x5e: {  	_ =	swait.ge [sflag:s10], $0x320  }
0x5f: {  	[sflag:s10] =	ssyncset.done $0x0  }
0x60: {  	s22 =	simm.s32 @!p0 $0x8;
	[sflag:s10] =	ssyncadd.s32 $0xFFFFFCE0  }
0x61: {  	[tilespmem:s15], [sflag:$0x3] =	stream.indirect.gather [hbm4b:s3+s11], $0x20, s14, s11, $0xb8;
	[tilespmem:$0x19C80] =	vst v63  }
0x62: {  	_ =	swait.ge @!p0 [sflag:s22], $0x6400  }
0x63: {  	[sflag:s22] =	ssyncset.done @!p0 $0x0  }
0x64: {  	[sflag:s22] =	ssyncadd.s32 @!p0 $0xFFFF9C00  }
0x65: {  	[tilespmem:s16], [sflag:$0x9] =	stream.linear.gather [hbm4b:s29+s2], $0x320, $0x38;
	[tilespmem:$0x19C80] =	vst v63  }
0x66: {  	_ =	swait.ge [sflag:s10], $0x320  }
0x67: {  	[sflag:s10] =	ssyncset.done $0x0  }
0x68: {  	[sflag:s10] =	ssyncadd.s32 $0xFFFFFCE0  }
0x69: {  	[tilespmem:s17], [sflag:$0x4] =	stream.indirect.gather [hbm4b:s3+s11], $0x20, s16, s11, $0xb8;
	[tilespmem:$0x19C80] =	vst v63  }
0x6a: {  	_ =	swait.ge [sflag:s18], $0x6400  }
0x6b: {  	s4 =	smov.u32 s28;
	[sflag:s18] =	ssyncset.done $0x0  }
0x6c: {  	s22 =	sadd.s32 s4, s8;
	[sflag:s18] =	ssyncadd.s32 $0xFFFF9C00  }
0x6d: {  	[hbm4b:s22+s2] =	stream.linear.scatter [tilespmem:s12], [sflag:$0x5], $0x6400, $0x38;
	[tilespmem:$0x19C80] =	vst v63  }
0x6e: {  	_ =	swait.ge [sflag:s19], $0x6400  }
0x6f: {  	s28 =	smov.u32 s1;
	s22 =	rddreg [dreg:$0x5];
	[sflag:s19] =	ssyncset.done $0x0  }
0x70: {  	s1 =	sadd.s32 $0x3200, s1;
	[sflag:s19] =	ssyncadd.s32 $0xFFFF9C00;
	s22 =	sadd.s32 s4, s22  }
0x71: {  	[hbm4b:s22+s2] =	stream.linear.scatter [tilespmem:s13], [sflag:$0x6], $0x6400, $0x38;
	[tilespmem:$0x19C80] =	vst v63  }
0x72: {  	p2 =	seq.s32 s28, $0x0;
	p1 =	sne.s32 s1, $0x19000;
	_ =	swait.ge [sflag:s20], $0x6400  }
0x73: {  	s0 =	sadd.s32 $0x190, s0;
	s22 =	rddreg [dreg:$0x4];
	[sflag:s20] =	ssyncset.done $0x0  }
.Ltmp0:
0x74: {  	[sflag:s20] =	ssyncadd.s32 $0xFFFF9C00;
	s22 =	sadd.s32 s4, s22;
	(pc) =	sbr.rel @p1 .LBB2_2-.Ltmp0, $4  }
0x75: {  	[hbm4b:s22+s2] =	stream.linear.scatter [tilespmem:s15], [sflag:$0x7], $0x6400, $0x38;
	[tilespmem:$0x19C80] =	vst v63  }
0x76: {  	s31 =	sadd.s32 $0x190, s31;
	s30 =	sadd.s32 $0x190, s30;
	_ =	swait.ge [sflag:s21], $0x6400  }
0x77: {  	p0 =	por p2, p2;
	[sflag:s21] =	ssyncset.done $0x0;
	s22 =	rddreg [dreg:$0x3]  }
0x78: {  	s29 =	sadd.s32 $0x190, s29;
	[sflag:s21] =	ssyncadd.s32 $0xFFFF9C00;
	s4 =	sadd.s32 s4, s22  }
0x79: {  	[hbm4b:s4+s2] =	stream.linear.scatter [tilespmem:s17], [sflag:$0x8], $0x6400, $0x38;
	[tilespmem:$0x19C80] =	vst v63  }
0x7a: {  	s1 =	simm.s32 @!p0 $0x5  }
0x7b: {  	_ =	swait.ge @!p0 [sflag:s1], $0x6400  }
0x7c: {  	[sflag:s1] =	ssyncset.done @!p0 $0x0  }
0x7d: {  	[sflag:s1] =	ssyncadd.s32 @!p0 $0xFFFF9C00  }
0x7e: {  	[tilespmem:s2], [sflag:$0x9] =	stream.linear.gather [hbm4b:s0+s2], $0x320, $0x38;
	[tilespmem:$0x19C80] =	vst v63  }
0x7f: {  	_ =	swait.ge [sflag:s10], $0x320  }
0x80: {  	[sflag:s10] =	ssyncset.done $0x0  }
0x81: {  	s0 =	simm.s32 @!p0 $0x6;
	[sflag:s10] =	ssyncadd.s32 $0xFFFFFCE0  }
0x82: {  	[tilespmem:s12], [sflag:$0x1] =	stream.indirect.gather [hbm4b:s3+s11], $0x20, s2, s11, $0xb8;
	[tilespmem:$0x19C80] =	vst v63  }
0x83: {  	_ =	swait.ge @!p0 [sflag:s0], $0x6400  }
0x84: {  	[sflag:s0] =	ssyncset.done @!p0 $0x0  }
0x85: {  	[sflag:s0] =	ssyncadd.s32 @!p0 $0xFFFF9C00  }
0x86: {  	[tilespmem:s11], [sflag:$0x9] =	stream.linear.gather [hbm4b:s31+s2], $0x320, $0x38;
	[tilespmem:$0x19C80] =	vst v63  }
0x87: {  	_ =	swait.ge [sflag:s10], $0x320  }
0x88: {  	[sflag:s10] =	ssyncset.done $0x0  }
0x89: {  	s0 =	simm.s32 @!p0 $0x7;
	[sflag:s10] =	ssyncadd.s32 $0xFFFFFCE0  }
0x8a: {  	[tilespmem:s13], [sflag:$0x2] =	stream.indirect.gather [hbm4b:s3+s11], $0x20, s11, s11, $0xb8;
	[tilespmem:$0x19C80] =	vst v63  }
0x8b: {  	_ =	swait.ge @!p0 [sflag:s0], $0x6400  }
0x8c: {  	[sflag:s0] =	ssyncset.done @!p0 $0x0  }
0x8d: {  	[sflag:s0] =	ssyncadd.s32 @!p0 $0xFFFF9C00  }
0x8e: {  	[tilespmem:s14], [sflag:$0x9] =	stream.linear.gather [hbm4b:s30+s2], $0x320, $0x38;
	[tilespmem:$0x19C80] =	vst v63  }
0x8f: {  	_ =	swait.ge [sflag:s10], $0x320  }
0x90: {  	[sflag:s10] =	ssyncset.done $0x0  }
0x91: {  	s0 =	simm.s32 @!p0 $0x8;
	[sflag:s10] =	ssyncadd.s32 $0xFFFFFCE0  }
0x92: {  	[tilespmem:s15], [sflag:$0x3] =	stream.indirect.gather [hbm4b:s3+s11], $0x20, s14, s11, $0xb8;
	[tilespmem:$0x19C80] =	vst v63  }
0x93: {  	_ =	swait.ge @!p0 [sflag:s0], $0x6400  }
0x94: {  	[sflag:s0] =	ssyncset.done @!p0 $0x0  }
0x95: {  	[sflag:s0] =	ssyncadd.s32 @!p0 $0xFFFF9C00  }
0x96: {  	[tilespmem:s16], [sflag:$0x9] =	stream.linear.gather [hbm4b:s29+s2], $0x320, $0x38;
	[tilespmem:$0x19C80] =	vst v63  }
0x97: {  	_ =	swait.ge [sflag:s10], $0x320  }
0x98: {  	[sflag:s10] =	ssyncset.done $0x0  }
0x99: {  	[sflag:s10] =	ssyncadd.s32 $0xFFFFFCE0  }
0x9a: {  	[tilespmem:s17], [sflag:$0x4] =	stream.indirect.gather [hbm4b:s3+s11], $0x20, s16, s11, $0xb8;
	[tilespmem:$0x19C80] =	vst v63  }
0x9b: {  	_ =	swait.ge [sflag:s18], $0x6400  }
0x9c: {  	[sflag:s18] =	ssyncset.done $0x0  }
0x9d: {  	s1 =	sadd.s32 s28, s8;
	[sflag:s18] =	ssyncadd.s32 $0xFFFF9C00  }
0x9e: {  	[hbm4b:s1+s2] =	stream.linear.scatter [tilespmem:s12], [sflag:$0x5], $0x6400, $0x38;
	[tilespmem:$0x19C80] =	vst v63  }
0x9f: {  	_ =	swait.ge [sflag:s19], $0x6400  }
0xa0: {  	s4 =	rddreg [dreg:$0x5];
	[sflag:s19] =	ssyncset.done $0x0  }
0xa1: {  	[sflag:s19] =	ssyncadd.s32 $0xFFFF9C00;
	s0 =	sadd.s32 s28, s4  }
0xa2: {  	[hbm4b:s0+s2] =	stream.linear.scatter [tilespmem:s13], [sflag:$0x6], $0x6400, $0x38;
	[tilespmem:$0x19C80] =	vst v63  }
0xa3: {  	_ =	swait.ge [sflag:s20], $0x6400  }
0xa4: {  	s22 =	rddreg [dreg:$0x4];
	[sflag:s20] =	ssyncset.done $0x0  }
0xa5: {  	[sflag:s20] =	ssyncadd.s32 $0xFFFF9C00;
	s0 =	sadd.s32 s28, s22  }
0xa6: {  	[hbm4b:s0+s2] =	stream.linear.scatter [tilespmem:s15], [sflag:$0x7], $0x6400, $0x38;
	[tilespmem:$0x19C80] =	vst v63  }
0xa7: {  	_ =	swait.ge [sflag:s21], $0x6400  }
0xa8: {  	s29 =	rddreg [dreg:$0x3];
	[sflag:s21] =	ssyncset.done $0x0  }
0xa9: {  	s30 =	simm.s32 $0x5;
	s0 =	sadd.s32 s28, s29;
	[sflag:s21] =	ssyncadd.s32 $0xFFFF9C00  }
0xaa: {  	[hbm4b:s0+s2] =	stream.linear.scatter [tilespmem:s17], [sflag:$0x8], $0x6400, $0x38;
	[tilespmem:$0x19C80] =	vst v63  }
0xab: {  	_ =	swait.ge [sflag:s30], $0x6400  }
0xac: {  	[sflag:s30] =	ssyncset.done $0x0  }
0xad: {  	[sflag:s30] =	ssyncadd.s32 $0xFFFF9C00  }
0xae: {  	_ =	swait.ge [sflag:s23], $0x6400  }
0xaf: {  	[sflag:s23] =	ssyncset.done $0x0  }
0xb0: {  	[sflag:s23] =	ssyncadd.s32 $0xFFFF9C00  }
0xb1: {  	_ =	swait.ge [sflag:s24], $0x6400  }
0xb2: {  	[sflag:s24] =	ssyncset.done $0x0  }
0xb3: {  	[sflag:s24] =	ssyncadd.s32 $0xFFFF9C00  }
0xb4: {  	_ =	swait.ge [sflag:s25], $0x6400  }
0xb5: {  	s26 =	sadd.s32 $0x1, s26;
	s31 =	rddreg [dreg:$0x6]  }
0xb6: {  	p0 =	sne.s32 s26, s31  }
.Ltmp1:
0xb7: {  	_ = 	snop;
	(pc) =	sbr.rel @p0 .LBB2_1-.Ltmp1, $3  }
0xb8: {  	_ =	sdelay $0x1  }
0xb9: {  	[sflag:s25] =	ssyncset.done $0x0  }
0xba: {  	[sflag:s25] =	ssyncadd.s32 $0xFFFF9C00  }
0xbb: {  	_ =	sfence.sel $0x180000  }
0xbc: {  	[bflag:$0x0] =	sbarrier.arrive $0xFFFF  }
0xbd: {  	_ =	strace $0x90000047  }
0xbe: {  	s0 =	stileid.u32;
	[bflag:$0x2] =	sbarrier.arrive $0xFFFF  }
0xbf: {  	p0 =	sne.s32 s0, $0x0;
	s0 =	rddreg [dreg:$0x2]  }
0xc0: {  	s0 =	sadd.s32 @!p0 $0x100000, s0  }
0xc1: {  	[sflag:s0] =	ssyncadd.tile.s32 @!p0 $0x1;
	_ =	shalt  }
.Lfunc_end2:
_tile_overlayer_lowered:
.L_overlay_start_2:
0xc2: {  	(tag) =	ssettag $0x2  }
0xc3: {  	s0 =	rddreg [dreg:$0x0];
	s2 =	stileid.u32  }
0xc4: {  	s1 =	rddreg [dreg:$0x1];
	p0 =	sne.s32 s2, $0x0  }
0xc5: {  	s3 =	rddreg [dreg:$0x2];
	[bflag:$0x3] =	sbarrier.arrive $0xFFFF;
	s2 =	simm.s32 @!p0 $0x1C09  }
0xc6: {  	[timem:s3], [sflag:s2] =	dma.local @!p0 [hbm:s0], s1  }
0xc7: {  	s0 =	simm.s32 @!p0 $0x9  }
0xc8: {  	_ =	swait.ge @!p0 [sflag:s0], s1  }
0xc9: {  	s1 =	ssub.s32 @!p0 $0x0, s1;
	[sflag:s0] =	ssyncset.done @!p0 $0x0  }
0xca: {  	[sflag:s0] =	ssyncadd.s32 @!p0 s1  }
0xcb: {  	[bflag:$0x3] =	sbarrier.arrive $0xFFFF  }
0xcc: {  	_ =	shalt  }

// kernel: sparse-core-data-format-call.cloned.1.call-start
scs
called_computation_lowered:
.L_overlay_start_0:
0x0: {  	s2 =	sld [smem:$0x3FD9]  }
0x1: {  	s3 =	sld [smem:$0x3FFE];
	_ =	sdelay $0x1  }
0x2: {  	s1 =	srdreg.scid  }
0x3: {  	s0 =	sand.u32 $0x1, s1  }
0x4: {  	s18 =	sshll.u32 s0, $0xA;
	s2 =	sadd.s32 s3, s2  }
0x5: {  	s2 =	sadd.s32 s2, s18  }
0x6: {  	[smem:$0x3FC6] =	sst s2  }
0x7: {  	_ = 	snop  }
0x8: {  	s2 =	sld [smem:$0x3FD0];
	(tm) =	ssettm $0x1  }
0x9: {  	s19 =	sld [smem:$0x3FFB];
	_ =	sdelay $0x3  }
0xa: {  	_ =	strace s19  }
0xb: {  	s3 =	sld [smem:$0x3FFC];
	_ =	sdelay $0x3  }
0xc: {  	_ =	strace s3  }
0xd: {  	s3 =	sld [smem:$0x3FFD];
	_ =	sdelay $0x3  }
0xe: {  	_ =	strace s3  }
0xf: {  	_ =	strace $0x8FFFFFFF  }
0x10: {  	s20 =	sld [smem:$0x3FDB];
	_ =	sdelay $0x1  }
0x11: {  	s4 =	simm.s32 $_scs_section_size  }
0x12: {  	s5 =	simm.s32 $_size__tile_overlayer_lowered;
	s6 =	simm.s32 $_tile_overlayer_lowered  }
0x13: {  	s23 =	simm.s32 $0x1BFF;
	s22 =	sshll.u32 s6, $0x1;
	s3 =	sadd.s32 s4, s20  }
0x14: {  	s7 =	simm.s32 $0x0;
	s21 =	sshll.u32 s5, $0x1;
	s5 =	sadd.s32 s22, s3  }
0x15: {  	[timem:s7], [sflag:s23] =	dma.local [hbm:s5], s21  }
0x16: {  	_ =	swait.ge [sflag:s23], s21  }
0x17: {  	s4 =	ssub.s32 $0x0, s21;
	[sflag:s23] =	ssyncset.done $0x0  }
0x18: {  	[sflag:s23] =	ssyncadd.s32 s4;
	_ =	sdelay $0x1  }
0x19: {  	s24 =	simm.s32 $0x1B8B  }
0x1a: {  	_ =	swait.ge [sflag:s24], $0x1  }
0x1b: {  	[sflag:s24] =	ssyncset.done $0x0  }
0x1c: {  	s26 =	simm.s32 $0x1B8E;
	s25 =	sld [smem:$0x3FFE];
	[sflag:s24] =	ssyncadd.s32 $0xFFFFFFFF  }
0x1d: {  	s27 =	simm.s32 $execute0_lowered;
	[smem:$0x3FD2] =	sst s26  }
0x1e: {  	s5 =	sshll.u32 s27, $0x1;
	_ =	strace $0x80000049;
	[dreg:$0x1] =	wrdreg $0xFFFFFFFF  }
0x1f: {  	s28 =	simm.s32 $_size_execute0_lowered;
	s3 =	sadd.s32 s3, s5;
	[dreg:$0x0] =	wrdreg $0x0  }
0x20: {  	s5 =	sshll.u32 s28, $0x1;
	[dreg:$0x2] =	wrdreg s3  }
0x21: {  	[dreg:$0x3] =	wrdreg s5  }
0x22: {  	[dreg:$0x4] =	wrdreg $0xC0  }
0x23: {  	_ =	task [dreg:s7], $0x5FFFF  }
0x24: {  	[dreg:$0x1] =	wrdreg $0xFFFFFFFF  }
0x25: {  	[dreg:$0x0] =	wrdreg $0x60  }
0x26: {  	[dreg:$0x2] =	wrdreg s25  }
0x27: {  	[dreg:$0x3] =	wrdreg s2  }
0x28: {  	[dreg:$0x4] =	wrdreg $0x9  }
0x29: {  	_ =	task.clear_ibuf [dreg:s7], $0x5FFFF;
	_ =	strace $0x90000049  }
0x2a: {  	s29 =	simm.s32 $0x9;
	_ =	strace $0x8000004B  }
0x2b: {  	_ =	swait.ge [sflag:s29], $0x1  }
0x2c: {  	[sflag:s29] =	ssyncadd.s32 $0xFFFFFFFF  }
0x2d: {  	_ =	strace $0x9000004B  }
0x2e: {  	_ =	sfence  }
0x2f: {  	s30 =	sld [smem:$0x0];
	_ =	sdelay $0x2  }
0x30: {  	s31 =	sshll.u32 s1, $0xD;
	s1 =	sshrl.u32 s1, $0x2  }
0x31: {  	s3 =	sand.u32 $0x4000, s31;
	s1 =	sadd.s32 s1, s30  }
0x32: {  	s0 =	sor.u32 s3, s0;
	s1 =	sshll.u32 s1, $0x11  }
0x33: {  	s0 =	sor.u32 s1, s0  }
0x34: {  	s0 =	sadd.s32 $0x8F2B, s0  }
0x35: {  	[sflag:s0] =	ssyncadd.remote.s32 $0x1  }
0x36: {  	_ =	sfence.sel $0xFFFF  }
0x37: {  	[dreg:$0x0] =	wrdreg $0xFFFFFFFF;
	(pc) =	sbr.abs _section_cstart, $3  }
0x38: {  	[dreg:$0x1] =	wrdreg $0xFFFFFFFF  }
0x39: {  	_ =	task.clear_ibuf [dreg:s7], $0x2FFFF;
	_ =	strace $0x9FFFFFFF  }
0x3a: {  	(tm) =	ssettm $0x7FFFFFFF  }
0x3b: {  	_ =	shalt  }
tec
execute0_lowered:
.L_overlay_start_1:
0x0: {  	(tag) =	ssettag $0x1  }
0x1: {  	s0 =	srdreg.scid  }
0x2: {  	s1 =	sshll.u32 s0, $0x4  }
0x3: {  	s0 =	stileid.u32;
	s1 =	sand.u32 $0x10, s1  }
0x4: {  	s1 =	sor.u32 s0, s1  }
0x5: {  	s6 =	rddreg [dreg:$0x0];
	s4 =	simm.s32 $0x1;
	s2 =	sshll.u32 s1, $0x7  }
0x6: {  	s7 =	simm.s32 $0x2;
	s12 =	simm.s32 $0x0;
	s1 =	ssub.s32 $0x1000, s2  }
0x7: {  	s8 =	simm.s32 $0x8000;
	s13 =	simm.s32 $0x0;
	s3 =	sand.u32 $0xF80, s1  }
0x8: {  	s9 =	simm.s32 $0x0;
	s5 =	sshrl.u32 s1, $0xC;
	p0 =	sne.s32 s3, $0x0  }
.Ltmp0:
0x9: {  	s1 =	rddreg [dreg:$0x2];
	s4 =	simm.s32 @!p0 $0x0;
	(pc) =	sbr.rel .LBB1_1-.Ltmp0, $4  }
0xa: {  	s11 =	simm.s32 $0x0;
	s3 =	rddreg [dreg:$0x1];
	s5 =	sadd.s32 s4, s5  }
0xb: {  	_ =	strace $0x8000004A;
	s4 =	simm.s32 $0x1;
	s5 =	smul.u32 $0xC8, s5  }
0xc: {  	s6 =	sadd.s32 $0xA00, s6;
	s10 =	smov.u32 s2;
	[sflag:s4] =	ssyncpa.u1 $0x0  }
0xd: {  	p0 =	por $0x0, $0x0;
	[sflag:s7] =	ssyncpa.u1 $0x0;
	s7 =	sor.u32 $0x1, s5  }
.LBB1_4:
0xe: {  	s16 =	sshll.u32 s13, $0x3;
	s17 =	sand.u32 $0x78, s13  }
0xf: {  	s30 =	sand.u32 $0x3E00, s13;
	s12 =	sshll.u32 s12, $0xE;
	s16 =	sand.u32 $0xC00, s16  }
0x10: {  	s31 =	sand.u32 $0x7, s13;
	s16 =	sor.u32 s17, s16;
	s17 =	sadd.s32 s3, s30  }
0x11: {  	s13 =	sshll.u32 s31, $0x12;
	s16 =	sshrl.u32 s16, $0x3;
	s12 =	sadd.s32 s12, s17  }
0x12: {  	[tilespmem:s15+$0x0 ss:$0x81] =	vst.msk $0xffff, v0;
	s13 =	sor.u32 $0x400, s13;
	s12 =	sadd.s32 s16, s12  }
0x13: {  	[hbm4b:s12+s13] =	stream.strided.scatter [tilespmem:s14], [sflag:$0x2], $0x1000, s8, s13, $0x20;
	[tilespmem:$0x4040] =	vst v63  }
.LBB1_5:
0x14: {  	s14 =	sadd.s32 $0x1, s9  }
0x15: {  	s12 =	sadd.s32 $0x1000, s10;
	s16 =	smov.u32 s10;
	p2 =	sgt.s32 s14, $0xC7  }
0x16: {  	s16 =	smov.u32 @p2 s12  }
0x17: {  	s14 =	simm.s32 @p2 $0x0;
	p2 =	sgt.s32 s16, $0xFFF  }
0x18: {  	s16 =	smov.u32 @p2 s2;
	p2 =	sne.s32 s11, s7  }
.Ltmp1:
0x19: {  	p1 =	slt.u32 s11, $0x2;
	(pc) =	sbr.rel @!p2 .LBB1_6-.Ltmp1, $4  }
0x1a: {  	s15 =	simm.s32 @!p1 $0x2  }
0x1b: {  	s13 =	smov.u32 s10;
	p0 =	por !p0, !p0;
	_ =	swait.ge @!p1 [sflag:s15], $0x1000  }
0x1c: {  	s12 =	smov.u32 s9;
	[sflag:s15] =	ssyncset.done @!p1 $0x0;
	s9 =	smov.u32 s14  }
0x1d: {  	s11 =	sadd.s32 $0x1, s11;
	[sflag:s15] =	ssyncadd.s32 @!p1 $0xFFFFF000;
	s10 =	smov.u32 s16  }
.LBB1_1:
0x1e: {  	p1 =	sge.u32 s11, s5  }
0x1f: {  	s14 =	sand.u32 @!p1 $0x1FFFFFF, s9  }
0x20: {  	s15 =	smulhi.u32 @!p1 $0x147AE15, s14;
	_ =	sdelay $0x1  }
0x21: {  	s15 =	smul.u32 @!p1 $0xC8, s15  }
0x22: {  	s16 =	sxor.u32 @!p1 $0xFFFFFFFF, s11;
	s17 =	smul.u32 @!p1 $0xC80, s10  }
0x23: {  	s31 =	sadd.s32 $0xFFFFFFFF, s11;
	s16 =	sshll.u32 @!p1 s16, $0xC;
	s14 =	ssub.s32 @!p1 s14, s15  }
0x24: {  	s15 =	sand.u32 @!p1 $0x1000, s16;
	s16 =	sadd.s32 @!p1 s6, s17;
	s14 =	sshll.u32 @!p1 s14, $0x4  }
0x25: {  	s17 =	simm.s32 @!p1 $0x6400;
	s14 =	sadd.s32 @!p1 s14, s16;
	s16 =	simm.s32 @!p1 $0x20  }
0x26: {  	[tilespmem:s15], [sflag:$0x1] =	stream.strided.gather @!p1 [hbm4b:s14+s16], $0x1000, s17, s16, $0x38;
	[tilespmem:$0x4040] =	vst v63  }
0x27: {  	p1 =	sge.u32 s31, s5  }
.Ltmp2:
0x28: {  	_ = 	snop;
	(pc) =	sbr.rel @p1 .LBB1_5-.Ltmp2, $1  }
0x29: {  	_ =	sdelay $0x3  }
0x2a: {  	s14 =	simm.s32 $0x1  }
0x2b: {  	_ =	swait.ge [sflag:s4], $0x1000;
	s14 =	simm.s32 @!p0 $0x0  }
0x2c: {  	[sflag:s4] =	ssyncset.done $0x0;
	s15 =	sshll.u32 s14, $0xC  }
0x2d: {  	[sflag:s4] =	ssyncadd.s32 $0xFFFFF000;
	s18 =	sor.u32 $0x10, s15  }
0x2e: {  	s14 =	smul.u32 $0x4080, s14;
	v1 =	vld [tilespmem:s18+$0x0]  }
0x2f: {  	s30 =	sand.u32 $0x1, s11;
	v0 =	vld [tilespmem:s18+$0xFFFFFFF0]  }
0x30: {  	s15 =	smul.u32 $0x4080, s30;
	s14 =	sshrl.u32 s14, $0x2  }
0x31: {  	s16 =	sor.u32 $0x2000, s14  }
0x32: {  	s31 =	sshrl.u32 s15, $0x2;
	s15 =	sadd.s32 $0x0, s16  }
0x33: {  	s17 =	simm.s32 $0x4;
	s18 =	sadd.s32 $0x20, s18;
	s14 =	sor.u32 $0x2000, s31;
	[tilespmem:s15+$0x810 ss:$0x81] =	vst.msk $0xffff, v1  }
.LBB1_3:
0x34: {  	v1 =	vld [tilespmem:s18+$0x0];
	p1 =	sne.s32 s17, $0x1FC;
	[tilespmem:s15+$0x0 ss:$0x81] =	vst.msk $0xffff, v0;
	s15 =	smov.u32 s17;
	s17 =	sadd.s32 $0x4, s17  }
.Ltmp3:
0x35: {  	v0 =	vld [tilespmem:s18+$0xFFFFFFF0];
	(pc) =	sbr.rel @p1 .LBB1_3-.Ltmp3, $4  }
0x36: {  	_ = 	snop  }
0x37: {  	s15 =	sshra.s32 s15, $0x2  }
0x38: {  	s15 =	sadd.s32 s15, s16  }
0x39: {  	s18 =	sadd.s32 $0x20, s18;
	[tilespmem:s15+$0x810 ss:$0x81] =	vst.msk $0xffff, v1  }
.Ltmp4:
0x3a: {  	_ = 	snop;
	(pc) =	sbr.rel .LBB1_4-.Ltmp4, $1  }
0x3b: {  	_ =	sdelay $0x3  }
.LBB1_6:
0x3c: {  	_ =	sfence.sel $0x180000  }
0x3d: {  	s2 =	simm.s32 $0x1;
	[bflag:$0x0] =	sbarrier.arrive $0xFFFF  }
0x3e: {  	s31 =	simm.s32 $0x2;
	[sflag:s2] =	ssyncpa.u1 $0x1  }
0x3f: {  	[sflag:s31] =	ssyncpa.u1 $0x1  }
0x40: {  	p0 =	sne.s32 s0, $0x0;
	_ =	strace $0x9000004A  }
0x41: {  	s0 =	sadd.s32 @!p0 $0x100000, s1;
	[bflag:$0x2] =	sbarrier.arrive $0xFFFF  }
0x42: {  	[sflag:s0] =	ssyncadd.tile.s32 @!p0 $0x1;
	_ =	shalt  }
.Lfunc_end1:
_tile_overlayer_lowered:
.L_overlay_start_2:
0x43: {  	(tag) =	ssettag $0x2  }
0x44: {  	s0 =	rddreg [dreg:$0x0];
	s2 =	stileid.u32  }
0x45: {  	s1 =	rddreg [dreg:$0x1];
	p0 =	sne.s32 s2, $0x0  }
0x46: {  	s3 =	rddreg [dreg:$0x2];
	[bflag:$0x3] =	sbarrier.arrive $0xFFFF;
	s2 =	simm.s32 @!p0 $0x1C01  }
0x47: {  	[timem:s3], [sflag:s2] =	dma.local @!p0 [hbm:s0], s1  }
0x48: {  	s0 =	simm.s32 @!p0 $0x1  }
0x49: {  	_ =	swait.ge @!p0 [sflag:s0], s1  }
0x4a: {  	s1 =	ssub.s32 @!p0 $0x0, s1;
	[sflag:s0] =	ssyncset.done @!p0 $0x0  }
0x4b: {  	[sflag:s0] =	ssyncadd.s32 @!p0 s1  }
0x4c: {  	[bflag:$0x3] =	sbarrier.arrive $0xFFFF  }
0x4d: {  	_ =	shalt  }

</sc_bundles>
